<compile_context>
chip_gen: v7x
topology: tpu7x:2x2x1
jax: 0.10.2.dev20260603
libtpu: 0.0.44.dev20260713+nightly
codegen_flags: <defaults>
</compile_context>

<pallas_src>
import functools

import jax
import jax.numpy as jnp
from jax import lax
from jax.experimental import pallas as pl
from jax.experimental.pallas import tpu as pltpu
from jax.experimental.pallas import tpu_sc as plsc

_K = 1024
_LO = -4.0
_HI = 4.0
_INV_H = (_K - 1) / (_HI - _LO)
_NC = 2
_NS = 16
_NW = _NC * _NS
_LANES = 16


def _sc_body(n_per_worker, chunk, z_hbm, bkt_hbm, zq_hbm, used_hbm,
             bkt_v, used_v, in0, in1, out0, out1, si0, si1, so0, so1):
    wid = lax.axis_index("s") * _NC + lax.axis_index("c")
    base = wid * n_per_worker
    n_pairs = n_per_worker // (2 * chunk)

    pltpu.sync_copy(bkt_hbm, bkt_v)

    zeros16 = jnp.zeros((_LANES,), jnp.int32)

    def zero_body(i, _):
        used_v[pl.ds(i * _LANES, _LANES)] = zeros16
        return _

    lax.fori_loop(0, _K // _LANES, zero_body, None)

    ones16 = jnp.ones((_LANES,), jnp.int32)
    off_c = -_LO * _INV_H + 1.0 - 2.0**-10

    def compute(in_buf, out_buf):
        @plsc.parallel_loop(0, chunk, step=_LANES, unroll=8)
        def vec_body(i):
            z = in_buf[pl.ds(i, _LANES)]
            t = z * _INV_H + off_c
            t = jnp.minimum(jnp.maximum(t, 0.0), float(_K - 1))
            idx = t.astype(jnp.int32)
            zq = plsc.load_gather(bkt_v, [idx])
            out_buf[pl.ds(i, _LANES)] = zq
            plsc.store_scatter(used_v, [idx], ones16)

    pltpu.make_async_copy(z_hbm.at[pl.ds(base, chunk)], in0, si0).start()

    def pair_body(p, _):
        o0 = base + (2 * p) * chunk
        o1 = o0 + chunk

        pltpu.make_async_copy(z_hbm.at[pl.ds(o1, chunk)], in1, si1).start()

        @pl.when(p > 0)
        def _w0():
            pltpu.make_async_copy(out0, zq_hbm.at[pl.ds(o0, chunk)], so0).wait()

        pltpu.make_async_copy(z_hbm.at[pl.ds(o0, chunk)], in0, si0).wait()
        compute(in0, out0)
        pltpu.make_async_copy(out0, zq_hbm.at[pl.ds(o0, chunk)], so0).start()

        @pl.when(p + 1 < n_pairs)
        def _n0():
            pltpu.make_async_copy(
                z_hbm.at[pl.ds(o0 + 2 * chunk, chunk)], in0, si0).start()

        @pl.when(p > 0)
        def _w1():
            pltpu.make_async_copy(out1, zq_hbm.at[pl.ds(o1, chunk)], so1).wait()

        pltpu.make_async_copy(z_hbm.at[pl.ds(o1, chunk)], in1, si1).wait()
        compute(in1, out1)
        pltpu.make_async_copy(out1, zq_hbm.at[pl.ds(o1, chunk)], so1).start()
        return _

    lax.fori_loop(0, n_pairs, pair_body, None)

    last = base + (2 * n_pairs - 2) * chunk
    pltpu.make_async_copy(out0, zq_hbm.at[pl.ds(last, chunk)], so0).wait()
    pltpu.make_async_copy(out1, zq_hbm.at[pl.ds(last + chunk, chunk)], so1).wait()
    pltpu.sync_copy(used_v, used_hbm.at[wid])


@functools.partial(jax.jit, static_argnums=())
def _sc_quantize(z_flat, buckets):
    n = z_flat.shape[0]
    n_per_worker = n // _NW
    chunk = 16384
    mesh = plsc.VectorSubcoreMesh(core_axis_name="c", subcore_axis_name="s")
    body = functools.partial(_sc_body, n_per_worker, chunk)
    return pl.kernel(
        body,
        out_type=[
            jax.ShapeDtypeStruct((n,), jnp.float32),
            jax.ShapeDtypeStruct((_NW, _K), jnp.int32),
        ],
        mesh=mesh,
        compiler_params=pltpu.CompilerParams(needs_layout_passes=False),
        scratch_types=[
            pltpu.VMEM((_K,), jnp.float32),
            pltpu.VMEM((_K,), jnp.int32),
            pltpu.VMEM((chunk,), jnp.float32),
            pltpu.VMEM((chunk,), jnp.float32),
            pltpu.VMEM((chunk,), jnp.float32),
            pltpu.VMEM((chunk,), jnp.float32),
            pltpu.SemaphoreType.DMA,
            pltpu.SemaphoreType.DMA,
            pltpu.SemaphoreType.DMA,
            pltpu.SemaphoreType.DMA,
        ],
    )(z_flat, buckets)


def _usage_body(used_ref, out_ref):
    tot = jnp.sum(used_ref[...], axis=0, keepdims=True)
    used_any = (tot > 0).astype(jnp.float32)
    out_ref[0, 0] = jnp.sum(used_any) * (1.0 / _K)


def _usage_reduce(used):
    out = pl.pallas_call(
        _usage_body,
        out_shape=jax.ShapeDtypeStruct((1, 1), jnp.float32),
        out_specs=pl.BlockSpec(memory_space=pltpu.SMEM),
    )(used)
    return out[0, 0]


def kernel(z_e, buckets):
    z_flat = z_e.reshape(-1)
    zq_flat, used = _sc_quantize(z_flat, buckets)
    usage = _usage_reduce(used)
    loss = jnp.zeros((), jnp.int32)
    return (zq_flat.reshape(z_e.shape), loss, usage)

# --- scband reference (transcript-rebuilt; emitter-appended) ---
"""Pipeline reference for scband-scalar-linear-quantizer-21646635172533 (READ-ONLY COPY).

The authoritative reference and input builder live on the scoring server;
editing this copy changes nothing except your own understanding.
"""

import jax, jax.numpy as jnp
import numpy as np

CODEBOOK_SIZE = 1024
RANGE = (-4.0, 4.0)


def setup_inputs(seed: int = 0) -> dict:
    key = jax.random.key(seed)
    z_e = jax.random.normal(key, (4, 256, 128, 128), dtype=jnp.float32)
    buckets = jnp.linspace(RANGE[0], RANGE[1], CODEBOOK_SIZE, dtype=jnp.float32)
    return {"z_e": z_e, "buckets": buckets}


def reference(z_e, buckets):
    K = buckets.shape[0]
    # torch.bucketize(z, boundaries, right=False) == searchsorted side='left'
    indices = jnp.clip(jnp.searchsorted(buckets, z_e, side="left").astype(jnp.int32), 0, K - 1)
    # decode: gather codebook entries
    z_q = buckets[indices]
    # codebook usage: fraction of distinct codes used (bincount form, jit-safe)
    counts = jnp.bincount(indices.ravel(), length=K)
    codebook_usage = (counts > 0).sum().astype(jnp.float32) / K
    loss = jnp.asarray(0, dtype=jnp.int32)
    return (z_q, loss, codebook_usage)

if __name__ == "__main__":
    import jax
    _d = setup_inputs()
    print(jax.jit(kernel)(*tuple(_d.values())))

</pallas_src>

<mosaic_0001>
#map = affine_map<(d0, d1) -> (0)>
#map1 = affine_map<(d0, d1) -> (0, 0)>
module attributes {stable_mosaic.version = 14 : i64} {
  func.func @_sc_body(%arg0: i32, %arg1: i32, %arg2: memref<16777216xf32, #tpu.memory_space<hbm>>, %arg3: memref<1024xf32, #tpu.memory_space<hbm>>, %arg4: memref<16777216xf32, #tpu.memory_space<hbm>>, %arg5: memref<32x1024xi32, #tpu.memory_space<hbm>>, %arg6: memref<1024xf32, #tpu.memory_space<vmem>>, %arg7: memref<1024xi32, #tpu.memory_space<vmem>>, %arg8: memref<16384xf32, #tpu.memory_space<vmem>>, %arg9: memref<16384xf32, #tpu.memory_space<vmem>>, %arg10: memref<16384xf32, #tpu.memory_space<vmem>>, %arg11: memref<16384xf32, #tpu.memory_space<vmem>>, %arg12: memref<!tpu.dma_semaphore, #tpu.memory_space<semaphore_mem>>, %arg13: memref<!tpu.dma_semaphore, #tpu.memory_space<semaphore_mem>>, %arg14: memref<!tpu.dma_semaphore, #tpu.memory_space<semaphore_mem>>, %arg15: memref<!tpu.dma_semaphore, #tpu.memory_space<semaphore_mem>>) attributes {dimension_semantics = [#tpu.dimension_semantics<core_parallel>, #tpu.dimension_semantics<subcore_parallel>], iteration_bounds = array<i64: 2, 16>, scalar_prefetch = 0 : i64, scratch_operands = 10 : i64, tpu.core_type = #tpu.core_type<sc_vector_subcore>, window_params = [{transform_indices = #map}, {transform_indices = #map}, {transform_indices = #map}, {transform_indices = #map1}]} {
    %mul3A = arith.constant 2 : i32
    %mul3A_0 = arith.muli %arg1, %mul3A : i32
    %add3A = arith.addi %mul3A_0, %arg0 : i32
    %mul3A_1 = arith.constant 524288 : i32
    %mul3A_2 = arith.muli %add3A, %mul3A_1 : i32
    "tpu.region"() ({
      %run_scoped3A = tpu.sem_alloc : memref<!tpu.dma_semaphore, #tpu.memory_space<semaphore_mem>>
      tpu.enqueue_dma source(%arg3 : memref<1024xf32, #tpu.memory_space<hbm>>) target(%arg6 : memref<1024xf32, #tpu.memory_space<vmem>>) target_semaphore(%run_scoped3A : memref<!tpu.dma_semaphore, #tpu.memory_space<semaphore_mem>>)
      tpu.wait_dma2 semaphore(%run_scoped3A : memref<!tpu.dma_semaphore, #tpu.memory_space<semaphore_mem>>) src(%arg3 : memref<1024xf32, #tpu.memory_space<hbm>>) dst(%arg6 : memref<1024xf32, #tpu.memory_space<vmem>>)
      tpu.yield
    }) : () -> ()
    %broadcast_in_dim3A = arith.constant 0 : i32
    %broadcast_in_dim3A_3 = vector.broadcast %broadcast_in_dim3A : i32 to vector<16xi32>
    %scan3A = arith.constant 0 : i32
    %scan3A_4 = arith.constant 64 : i32
    %scan3A_5 = arith.addi %scan3A, %scan3A_4 : i32
    %scan3A_6 = arith.constant 1 : i32
    scf.for %scan3A_23 = %scan3A to %scan3A_5 step %scan3A_6  : i32 {
      %mul3A_24 = arith.constant 16 : i32
      %mul3A_25 = arith.muli %scan3A_23, %mul3A_24 : i32
      %swap3A = arith.index_cast %mul3A_25 : i32 to index
      %swap3A_26 = tpu.vector_load %arg7[%swap3A] {strides = array<i32>} : memref<1024xi32, #tpu.memory_space<vmem>>, vector<16xi32>,
      tpu.vector_store %arg7[%swap3A], %broadcast_in_dim3A_3 {strides = array<i32>} : memref<1024xi32, #tpu.memory_space<vmem>>, vector<16xi32>,
    }
    %scan3A_7 = arith.constant 64 : i32
    %broadcast_in_dim3A_8 = arith.constant 1 : i32
    %broadcast_in_dim3A_9 = vector.broadcast %broadcast_in_dim3A_8 : i32 to vector<16xi32>
    %dma_start3A = tpu.memref_slice %arg2[%mul3A_2] : memref<16777216xf32, #tpu.memory_space<hbm>> -> memref<16384xf32, #tpu.memory_space<hbm>>
    %dma_start3A_10 = tpu.memref_slice %arg2[%mul3A_2] : memref<16777216xf32, #tpu.memory_space<hbm>> -> memref<16384xf32, #tpu.memory_space<hbm>>
    tpu.enqueue_dma source(%dma_start3A_10 : memref<16384xf32, #tpu.memory_space<hbm>>) target(%arg8 : memref<16384xf32, #tpu.memory_space<vmem>>) target_semaphore(%arg12 : memref<!tpu.dma_semaphore, #tpu.memory_space<semaphore_mem>>)
    %scan3A_11 = arith.constant 0 : i32
    %scan3A_12 = arith.constant 16 : i32
    %scan3A_13 = arith.addi %scan3A_11, %scan3A_12 : i32
    %scan3A_14 = arith.constant 1 : i32
    scf.for %scan3A_23 = %scan3A_11 to %scan3A_13 step %scan3A_14  : i32 {
      %mul3A_24 = arith.constant 2 : i32
      %mul3A_25 = arith.muli %mul3A_24, %scan3A_23 : i32
      %mul3A_26 = arith.constant 16384 : i32
      %mul3A_27 = arith.muli %mul3A_25, %mul3A_26 : i32
      %add3A_28 = arith.addi %mul3A_2, %mul3A_27 : i32
      %add3A_29 = arith.constant 16384 : i32
      %add3A_30 = arith.addi %add3A_28, %add3A_29 : i32
      %dma_start3A_31 = tpu.memref_slice %arg2[%add3A_30] : memref<16777216xf32, #tpu.memory_space<hbm>> -> memref<16384xf32, #tpu.memory_space<hbm>>
      %dma_start3A_32 = tpu.memref_slice %arg2[%add3A_30] : memref<16777216xf32, #tpu.memory_space<hbm>> -> memref<16384xf32, #tpu.memory_space<hbm>>
      tpu.enqueue_dma source(%dma_start3A_32 : memref<16384xf32, #tpu.memory_space<hbm>>) target(%arg9 : memref<16384xf32, #tpu.memory_space<vmem>>) target_semaphore(%arg13 : memref<!tpu.dma_semaphore, #tpu.memory_space<semaphore_mem>>)
      %gt3A = arith.constant 0 : i32
      %gt3A_33 = arith.cmpi sgt, %scan3A_23, %gt3A : i32
      %convert_element_type3A = arith.extui %gt3A_33 : i1 to i32
      %cond3A = arith.constant 0 : i32
      %cond3A_34 = arith.cmpi ne, %convert_element_type3A, %cond3A : i32
      scf.if %cond3A_34 {
        %dma_wait3A_59 = tpu.memref_slice %arg4[%add3A_28] : memref<16777216xf32, #tpu.memory_space<hbm>> -> memref<16384xf32, #tpu.memory_space<hbm>>
        %dma_wait3A_60 = tpu.memref_slice %arg4[%add3A_28] : memref<16777216xf32, #tpu.memory_space<hbm>> -> memref<16384xf32, #tpu.memory_space<hbm>>
        tpu.wait_dma2 semaphore(%arg14 : memref<!tpu.dma_semaphore, #tpu.memory_space<semaphore_mem>>) src(%arg10 : memref<16384xf32, #tpu.memory_space<vmem>>) dst(%dma_wait3A_60 : memref<16384xf32, #tpu.memory_space<hbm>>)
      } else {
      }
      %dma_wait3A_35 = tpu.memref_slice %arg2[%add3A_28] : memref<16777216xf32, #tpu.memory_space<hbm>> -> memref<16384xf32, #tpu.memory_space<hbm>>
      %dma_wait3A_36 = tpu.memref_slice %arg2[%add3A_28] : memref<16777216xf32, #tpu.memory_space<hbm>> -> memref<16384xf32, #tpu.memory_space<hbm>>
      tpu.wait_dma2 semaphore(%arg12 : memref<!tpu.dma_semaphore, #tpu.memory_space<semaphore_mem>>) src(%dma_wait3A_36 : memref<16384xf32, #tpu.memory_space<hbm>>) dst(%arg8 : memref<16384xf32, #tpu.memory_space<vmem>>)
      %parallel_loop3A = arith.constant 0 : i32
      %parallel_loop3A_37 = arith.constant 16384 : i32
      %parallel_loop3A_38 = arith.constant 16 : i32
      scf.for %parallel_loop3A_59 = %parallel_loop3A to %parallel_loop3A_37 step %parallel_loop3A_38  : i32 {
        %parallel_loop3A_60 = arith.index_cast %parallel_loop3A_59 : i32 to index
        %parallel_loop3A_61 = tpu.vector_load %arg8[%parallel_loop3A_60] {strides = array<i32>} : memref<16384xf32, #tpu.memory_space<vmem>>, vector<16xf32>,
        %parallel_loop3A_62 = arith.constant 1.278750e+02 : f32
        %parallel_loop3A_63 = vector.broadcast %parallel_loop3A_62 : f32 to vector<16xf32>
        %parallel_loop3A_64 = arith.mulf %parallel_loop3A_61, %parallel_loop3A_63 : vector<16xf32>
        %parallel_loop3A_65 = arith.constant 5.124990e+02 : f32
        %parallel_loop3A_66 = vector.broadcast %parallel_loop3A_65 : f32 to vector<16xf32>
        %parallel_loop3A_67 = arith.addf %parallel_loop3A_64, %parallel_loop3A_66 : vector<16xf32>
        %parallel_loop3A_68 = arith.constant 0.000000e+00 : f32
        %parallel_loop3A_69 = vector.broadcast %parallel_loop3A_68 : f32 to vector<16xf32>
        %parallel_loop3A_70 = arith.maximumf %parallel_loop3A_67, %parallel_loop3A_69 : vector<16xf32>
        %parallel_loop3A_71 = arith.constant 1.023000e+03 : f32
        %parallel_loop3A_72 = vector.broadcast %parallel_loop3A_71 : f32 to vector<16xf32>
        %parallel_loop3A_73 = arith.minimumf %parallel_loop3A_70, %parallel_loop3A_72 : vector<16xf32>
        %parallel_loop3A_74 = arith.fptosi %parallel_loop3A_73 : vector<16xf32> to vector<16xi32>
        %parallel_loop3A_75 = tpu.vector_load_idx %arg6[%parallel_loop3A_74] : memref<1024xf32, #tpu.memory_space<vmem>>[vector<16xi32>], vector<16xf32>,
        %parallel_loop3A_76 = arith.index_cast %parallel_loop3A_59 : i32 to index
        %parallel_loop3A_77 = tpu.vector_load %arg10[%parallel_loop3A_76] {strides = array<i32>} : memref<16384xf32, #tpu.memory_space<vmem>>, vector<16xf32>,
        tpu.vector_store %arg10[%parallel_loop3A_76], %parallel_loop3A_75 {strides = array<i32>} : memref<16384xf32, #tpu.memory_space<vmem>>, vector<16xf32>,
        tpu.vector_store_idx %arg7[%parallel_loop3A_74], %broadcast_in_dim3A_9 : memref<1024xi32, #tpu.memory_space<vmem>>[vector<16xi32>], vector<16xi32>,
      } {sc.loop_unroll_factor = 8 : i64, sc.parallel_access}
      %dma_start3A_39 = tpu.memref_slice %arg4[%add3A_28] : memref<16777216xf32, #tpu.memory_space<hbm>> -> memref<16384xf32, #tpu.memory_space<hbm>>
      %dma_start3A_40 = tpu.memref_slice %arg4[%add3A_28] : memref<16777216xf32, #tpu.memory_space<hbm>> -> memref<16384xf32, #tpu.memory_space<hbm>>
      tpu.enqueue_dma source(%arg10 : memref<16384xf32, #tpu.memory_space<vmem>>) target(%dma_start3A_40 : memref<16384xf32, #tpu.memory_space<hbm>>) target_semaphore(%arg14 : memref<!tpu.dma_semaphore, #tpu.memory_space<semaphore_mem>>)
      %add3A_41 = arith.constant 1 : i32
      %add3A_42 = arith.addi %scan3A_23, %add3A_41 : i32
      %lt3A = arith.constant 16 : i32
      %lt3A_43 = arith.cmpi slt, %add3A_42, %lt3A : i32
      %convert_element_type3A_44 = arith.extui %lt3A_43 : i1 to i32
      %cond3A_45 = arith.constant 0 : i32
      %cond3A_46 = arith.cmpi ne, %convert_element_type3A_44, %cond3A_45 : i32
      scf.if %cond3A_46 {
        %add3A_59 = arith.constant 32768 : i32
        %add3A_60 = arith.addi %add3A_28, %add3A_59 : i32
        %dma_start3A_61 = tpu.memref_slice %arg2[%add3A_60] : memref<16777216xf32, #tpu.memory_space<hbm>> -> memref<16384xf32, #tpu.memory_space<hbm>>
        %dma_start3A_62 = tpu.memref_slice %arg2[%add3A_60] : memref<16777216xf32, #tpu.memory_space<hbm>> -> memref<16384xf32, #tpu.memory_space<hbm>>
        tpu.enqueue_dma source(%dma_start3A_62 : memref<16384xf32, #tpu.memory_space<hbm>>) target(%arg8 : memref<16384xf32, #tpu.memory_space<vmem>>) target_semaphore(%arg12 : memref<!tpu.dma_semaphore, #tpu.memory_space<semaphore_mem>>)
      } else {
      }
      %gt3A_47 = arith.constant 0 : i32
      %gt3A_48 = arith.cmpi sgt, %scan3A_23, %gt3A_47 : i32
      %convert_element_type3A_49 = arith.extui %gt3A_48 : i1 to i32
      %cond3A_50 = arith.constant 0 : i32
      %cond3A_51 = arith.cmpi ne, %convert_element_type3A_49, %cond3A_50 : i32
      scf.if %cond3A_51 {
        %dma_wait3A_59 = tpu.memref_slice %arg4[%add3A_30] : memref<16777216xf32, #tpu.memory_space<hbm>> -> memref<16384xf32, #tpu.memory_space<hbm>>
        %dma_wait3A_60 = tpu.memref_slice %arg4[%add3A_30] : memref<16777216xf32, #tpu.memory_space<hbm>> -> memref<16384xf32, #tpu.memory_space<hbm>>
        tpu.wait_dma2 semaphore(%arg15 : memref<!tpu.dma_semaphore, #tpu.memory_space<semaphore_mem>>) src(%arg11 : memref<16384xf32, #tpu.memory_space<vmem>>) dst(%dma_wait3A_60 : memref<16384xf32, #tpu.memory_space<hbm>>)
      } else {
      }
      %dma_wait3A_52 = tpu.memref_slice %arg2[%add3A_30] : memref<16777216xf32, #tpu.memory_space<hbm>> -> memref<16384xf32, #tpu.memory_space<hbm>>
      %dma_wait3A_53 = tpu.memref_slice %arg2[%add3A_30] : memref<16777216xf32, #tpu.memory_space<hbm>> -> memref<16384xf32, #tpu.memory_space<hbm>>
      tpu.wait_dma2 semaphore(%arg13 : memref<!tpu.dma_semaphore, #tpu.memory_space<semaphore_mem>>) src(%dma_wait3A_53 : memref<16384xf32, #tpu.memory_space<hbm>>) dst(%arg9 : memref<16384xf32, #tpu.memory_space<vmem>>)
      %parallel_loop3A_54 = arith.constant 0 : i32
      %parallel_loop3A_55 = arith.constant 16384 : i32
      %parallel_loop3A_56 = arith.constant 16 : i32
      scf.for %parallel_loop3A_59 = %parallel_loop3A_54 to %parallel_loop3A_55 step %parallel_loop3A_56  : i32 {
        %parallel_loop3A_60 = arith.index_cast %parallel_loop3A_59 : i32 to index
        %parallel_loop3A_61 = tpu.vector_load %arg9[%parallel_loop3A_60] {strides = array<i32>} : memref<16384xf32, #tpu.memory_space<vmem>>, vector<16xf32>,
        %parallel_loop3A_62 = arith.constant 1.278750e+02 : f32
        %parallel_loop3A_63 = vector.broadcast %parallel_loop3A_62 : f32 to vector<16xf32>
        %parallel_loop3A_64 = arith.mulf %parallel_loop3A_61, %parallel_loop3A_63 : vector<16xf32>
        %parallel_loop3A_65 = arith.constant 5.124990e+02 : f32
        %parallel_loop3A_66 = vector.broadcast %parallel_loop3A_65 : f32 to vector<16xf32>
        %parallel_loop3A_67 = arith.addf %parallel_loop3A_64, %parallel_loop3A_66 : vector<16xf32>
        %parallel_loop3A_68 = arith.constant 0.000000e+00 : f32
        %parallel_loop3A_69 = vector.broadcast %parallel_loop3A_68 : f32 to vector<16xf32>
        %parallel_loop3A_70 = arith.maximumf %parallel_loop3A_67, %parallel_loop3A_69 : vector<16xf32>
        %parallel_loop3A_71 = arith.constant 1.023000e+03 : f32
        %parallel_loop3A_72 = vector.broadcast %parallel_loop3A_71 : f32 to vector<16xf32>
        %parallel_loop3A_73 = arith.minimumf %parallel_loop3A_70, %parallel_loop3A_72 : vector<16xf32>
        %parallel_loop3A_74 = arith.fptosi %parallel_loop3A_73 : vector<16xf32> to vector<16xi32>
        %parallel_loop3A_75 = tpu.vector_load_idx %arg6[%parallel_loop3A_74] : memref<1024xf32, #tpu.memory_space<vmem>>[vector<16xi32>], vector<16xf32>,
        %parallel_loop3A_76 = arith.index_cast %parallel_loop3A_59 : i32 to index
        %parallel_loop3A_77 = tpu.vector_load %arg11[%parallel_loop3A_76] {strides = array<i32>} : memref<16384xf32, #tpu.memory_space<vmem>>, vector<16xf32>,
        tpu.vector_store %arg11[%parallel_loop3A_76], %parallel_loop3A_75 {strides = array<i32>} : memref<16384xf32, #tpu.memory_space<vmem>>, vector<16xf32>,
        tpu.vector_store_idx %arg7[%parallel_loop3A_74], %broadcast_in_dim3A_9 : memref<1024xi32, #tpu.memory_space<vmem>>[vector<16xi32>], vector<16xi32>,
      } {sc.loop_unroll_factor = 8 : i64, sc.parallel_access}
      %dma_start3A_57 = tpu.memref_slice %arg4[%add3A_30] : memref<16777216xf32, #tpu.memory_space<hbm>> -> memref<16384xf32, #tpu.memory_space<hbm>>
      %dma_start3A_58 = tpu.memref_slice %arg4[%add3A_30] : memref<16777216xf32, #tpu.memory_space<hbm>> -> memref<16384xf32, #tpu.memory_space<hbm>>
      tpu.enqueue_dma source(%arg11 : memref<16384xf32, #tpu.memory_space<vmem>>) target(%dma_start3A_58 : memref<16384xf32, #tpu.memory_space<hbm>>) target_semaphore(%arg15 : memref<!tpu.dma_semaphore, #tpu.memory_space<semaphore_mem>>)
    }
    %scan3A_15 = arith.constant 16 : i32
    %add3A_16 = arith.constant 491520 : i32
    %add3A_17 = arith.addi %mul3A_2, %add3A_16 : i32
    %dma_wait3A = tpu.memref_slice %arg4[%add3A_17] : memref<16777216xf32, #tpu.memory_space<hbm>> -> memref<16384xf32, #tpu.memory_space<hbm>>
    %dma_wait3A_18 = tpu.memref_slice %arg4[%add3A_17] : memref<16777216xf32, #tpu.memory_space<hbm>> -> memref<16384xf32, #tpu.memory_space<hbm>>
    tpu.wait_dma2 semaphore(%arg14 : memref<!tpu.dma_semaphore, #tpu.memory_space<semaphore_mem>>) src(%arg10 : memref<16384xf32, #tpu.memory_space<vmem>>) dst(%dma_wait3A_18 : memref<16384xf32, #tpu.memory_space<hbm>>)
    %add3A_19 = arith.constant 16384 : i32
    %add3A_20 = arith.addi %add3A_17, %add3A_19 : i32
    %dma_wait3A_21 = tpu.memref_slice %arg4[%add3A_20] : memref<16777216xf32, #tpu.memory_space<hbm>> -> memref<16384xf32, #tpu.memory_space<hbm>>
    %dma_wait3A_22 = tpu.memref_slice %arg4[%add3A_20] : memref<16777216xf32, #tpu.memory_space<hbm>> -> memref<16384xf32, #tpu.memory_space<hbm>>
    tpu.wait_dma2 semaphore(%arg15 : memref<!tpu.dma_semaphore, #tpu.memory_space<semaphore_mem>>) src(%arg11 : memref<16384xf32, #tpu.memory_space<vmem>>) dst(%dma_wait3A_22 : memref<16384xf32, #tpu.memory_space<hbm>>)
    "tpu.region"() ({
      %run_scoped3A = tpu.sem_alloc : memref<!tpu.dma_semaphore, #tpu.memory_space<semaphore_mem>>
      %dma_start3A_23 = arith.constant 0 : i32
      %dma_start3A_24 = tpu.memref_slice %arg5[%add3A, %dma_start3A_23] : memref<32x1024xi32, #tpu.memory_space<hbm>> -> memref<1x1024xi32, #tpu.memory_space<hbm>>
      %dma_start3A_25 = tpu.memref_squeeze %dma_start3A_24 : memref<1x1024xi32, #tpu.memory_space<hbm>> -> memref<1024xi32, #tpu.memory_space<hbm>>
      %dma_start3A_26 = arith.constant 0 : i32
      %dma_start3A_27 = tpu.memref_slice %arg5[%add3A, %dma_start3A_26] : memref<32x1024xi32, #tpu.memory_space<hbm>> -> memref<1x1024xi32, #tpu.memory_space<hbm>>
      %dma_start3A_28 = tpu.memref_squeeze %dma_start3A_27 : memref<1x1024xi32, #tpu.memory_space<hbm>> -> memref<1024xi32, #tpu.memory_space<hbm>>
      tpu.enqueue_dma source(%arg7 : memref<1024xi32, #tpu.memory_space<vmem>>) target(%dma_start3A_28 : memref<1024xi32, #tpu.memory_space<hbm>>) target_semaphore(%run_scoped3A : memref<!tpu.dma_semaphore, #tpu.memory_space<semaphore_mem>>)
      %dma_wait3A_29 = arith.constant 0 : i32
      %dma_wait3A_30 = tpu.memref_slice %arg5[%add3A, %dma_wait3A_29] : memref<32x1024xi32, #tpu.memory_space<hbm>> -> memref<1x1024xi32, #tpu.memory_space<hbm>>
      %dma_wait3A_31 = tpu.memref_squeeze %dma_wait3A_30 : memref<1x1024xi32, #tpu.memory_space<hbm>> -> memref<1024xi32, #tpu.memory_space<hbm>>
      %dma_wait3A_32 = arith.constant 0 : i32
      %dma_wait3A_33 = tpu.memref_slice %arg5[%add3A, %dma_wait3A_32] : memref<32x1024xi32, #tpu.memory_space<hbm>> -> memref<1x1024xi32, #tpu.memory_space<hbm>>
      %dma_wait3A_34 = tpu.memref_squeeze %dma_wait3A_33 : memref<1x1024xi32, #tpu.memory_space<hbm>> -> memref<1024xi32, #tpu.memory_space<hbm>>
      tpu.wait_dma2 semaphore(%run_scoped3A : memref<!tpu.dma_semaphore, #tpu.memory_space<semaphore_mem>>) src(%arg7 : memref<1024xi32, #tpu.memory_space<vmem>>) dst(%dma_wait3A_34 : memref<1024xi32, #tpu.memory_space<hbm>>)
      tpu.yield
    }) : () -> ()
    return
  }
}

</mosaic_0001>

<sc_bundles>
// kernel: _sc_quantize.3.cloned.1.call-start
scs
__scs_entry_jumppad:
0x0: {  	(pc) =	sbr.rel $0x88, $3  }
0x1: {  	(tag) =	ssettag $0x0;
	lr =	simm.s32 $0x1  }
0x2: {  	[smem:$0x3F9F] =	sst lr;
	_ =	strace $0xD0000000  }
0x3: {  	_ = 	snop  }
0x4: {  	_ = 	snop  }
0x5: {  	_ = 	snop  }
0x6: {  	_ = 	snop  }
0x7: {  	_ = 	snop  }
__scs_overlays_trampoline_lowered:
0x8: {  	[smem:$0x3FAE] =	sst s0  }
0x9: {  	[smem:$0x3FAF] =	sst s1  }
0xa: {  	[smem:$0x3FB0] =	sst s2  }
0xb: {  	[smem:$0x3FB1] =	sst s3  }
0xc: {  	[smem:$0x3FB2] =	sst s4  }
0xd: {  	[smem:$0x3FB3] =	sst s5  }
0xe: {  	[smem:$0x3FB4] =	sst s6  }
0xf: {  	[smem:$0x3FB5] =	sst s7  }
0x10: {  	[smem:$0x3FB6] =	sst s8  }
0x11: {  	[smem:$0x3FB7] =	sst s9;
	s0 =	simm.s32 @!p0 $0x0  }
0x12: {  	s1 =	sld [smem:$0x3F9D];
	s0 =	simm.s32 @p0 $0x1  }
0x13: {  	[smem:$0x3FB8] =	sst s0;
	s0 =	simm.s32 @!p1 $0x0  }
0x14: {  	s2 =	sld [smem:$0x3F9C];
	s0 =	simm.s32 @p1 $0x1  }
0x15: {  	[smem:$0x3FB9] =	sst s0;
	s0 =	simm.s32 @!p2 $0x0  }
0x16: {  	s3 =	sld [smem:$0x3FDB];
	s0 =	simm.s32 @p2 $0x1  }
0x17: {  	s4 =	simm.s32 $0x1BF5;
	[smem:$0x3FBB] =	sst s0  }
0x18: {  	s0 =	sld [smem:$0x3F9E];
	_ =	swait.ge [sflag:s4], $0x0  }
0x19: {  	s7 =	sld [smem:$0x3F9F]  }
0x1a: {  	s8 =	sadd.s32 $0xFFFFE003, lr  }
0x1b: {  	s9 =	sadd.s32 $0xFFFFFEF7, lr;
	s5 =	simm.s32 $0xFFFFFFFF;
	p2 =	slt.u32 s8, $0xFFFFF086  }
0x1c: {  	p1 =	slt.u32 s9, $0xF7A;
	s5 =	simm.s32 @!p2 $0x0  }
0x1d: {  	s5 =	simm.s32 @p1 $0x1;
	p0 =	seq.s32 s7, s2  }
0x1e: {  	s7 =	smul.u32 @!p0 $0xF7A, s2;
	p2 =	seq.s32 @!p0 s5, $0x0  }
0x1f: {  	s9 =	smul.u32 $0xF7A, s1;
	s8 =	simm.s32 @!p0 $0x1BF5;
	p2 =	por !p2, p0  }
0x20: {  	[sflag:s8] =	ssyncset.s32 @!p0 $0xFFFFF086;
	s6 =	sadd.s32 @!p0 s3, s7;
	s7 =	simm.s32 @!p0 $0x108  }
0x21: {  	s3 =	sadd.s32 s3, s9;
	s6 =	sadd.s32 @!p0 $0x88, s6;
	s7 =	simm.s32 @p2 $0x1082  }
0x22: {  	[simem:s7], [sflag:s8] =	dma.local @!p0 [hbm:s6], $0xF7A  }
0x23: {  	s9 =	sor.u32 $0xD0000000, s2;
	s6 =	simm.s32 $0x108;
	_ =	swait.ge @!p0 [sflag:s8], $0x0  }
0x24: {  	s3 =	sadd.s32 $0x88, s3;
	s6 =	simm.s32 @!p1 $0x1082;
	[sflag:s4] =	ssyncset.s32 $0xFFFFF086  }
0x25: {  	[simem:s6], [sflag:s4] =	dma.local [hbm:s3], $0xF7A  }
0x26: {  	[smem:$0x3F9F] =	sst s1;
	(tag) =	ssettag s2;
	_ =	strace s9  }
0x27: {  	s1 =	sld [smem:$0x3FAF]  }
0x28: {  	s2 =	sld [smem:$0x3FB0]  }
0x29: {  	s4 =	sld [smem:$0x3FB2]  }
0x2a: {  	p0 =	seq.s32 s5, $0x0;
	s5 =	sld [smem:$0x3FB3]  }
0x2b: {  	s6 =	sld [smem:$0x3FB4]  }
0x2c: {  	s7 =	sld [smem:$0x3FB5]  }
0x2d: {  	s3 =	simm.s32 $0x108;
	s8 =	sld [smem:$0x3FB6]  }
0x2e: {  	s3 =	simm.s32 @!p0 $0x1082;
	s9 =	sld [smem:$0x3FB7]  }
0x2f: {  	lr =	sadd.s32 s0, s3;
	s0 =	sld [smem:$0x3FAE]  }
0x30: {  	s3 =	sld [smem:$0x3FB1]  }
0x31: {  	[smem:$0x3FBA] =	sst s10  }
0x32: {  	s10 =	sld [smem:$0x3FB8];
	_ =	sdelay $0x3  }
0x33: {  	p0 =	seq.s32 s10, $0x1;
	s10 =	sld [smem:$0x3FBA];
	_ =	sdelay $0x3  }
0x34: {  	[smem:$0x3FBA] =	sst s10  }
0x35: {  	s10 =	sld [smem:$0x3FB9];
	_ =	sdelay $0x3  }
0x36: {  	p1 =	seq.s32 s10, $0x1;
	s10 =	sld [smem:$0x3FBA];
	_ =	sdelay $0x3  }
0x37: {  	[smem:$0x3FBA] =	sst s10  }
0x38: {  	s10 =	sld [smem:$0x3FBB]  }
0x39: {  	_ = 	snop;
	(pc) =	sbr.ind lr, $3  }
0x3a: {  	_ = 	snop  }
0x3b: {  	_ = 	snop  }
0x3c: {  	p2 =	seq.s32 s10, $0x1;
	s10 =	sld [smem:$0x3FBA]  }
0x3d: {  	_ =	shalt  }
0x3e: {  	_ =	shalt  }
0x3f: {  	_ =	shalt  }
0x40: {  	_ =	shalt  }
0x41: {  	_ =	shalt  }
0x42: {  	_ =	shalt  }
0x43: {  	_ =	shalt  }
0x44: {  	_ =	shalt  }
0x45: {  	_ =	shalt  }
0x46: {  	_ =	shalt  }
0x47: {  	_ =	shalt  }
0x48: {  	_ =	shalt  }
0x49: {  	_ =	shalt  }
0x4a: {  	_ =	shalt  }
0x4b: {  	_ =	shalt  }
0x4c: {  	_ =	shalt  }
0x4d: {  	_ =	shalt  }
0x4e: {  	_ =	shalt  }
0x4f: {  	_ =	shalt  }
0x50: {  	_ =	shalt  }
0x51: {  	_ =	shalt  }
0x52: {  	_ =	shalt  }
0x53: {  	_ =	shalt  }
0x54: {  	_ =	shalt  }
0x55: {  	_ =	shalt  }
0x56: {  	_ =	shalt  }
0x57: {  	_ =	shalt  }
0x58: {  	_ =	shalt  }
0x59: {  	_ =	shalt  }
0x5a: {  	_ =	shalt  }
0x5b: {  	_ =	shalt  }
0x5c: {  	_ =	shalt  }
0x5d: {  	_ =	shalt  }
0x5e: {  	_ =	shalt  }
0x5f: {  	_ =	shalt  }
0x60: {  	_ =	shalt  }
0x61: {  	_ =	shalt  }
0x62: {  	_ =	shalt  }
0x63: {  	_ =	shalt  }
0x64: {  	_ =	shalt  }
0x65: {  	_ =	shalt  }
0x66: {  	_ =	shalt  }
0x67: {  	_ =	shalt  }
0x68: {  	_ =	shalt  }
0x69: {  	_ =	shalt  }
0x6a: {  	_ =	shalt  }
0x6b: {  	_ =	shalt  }
0x6c: {  	_ =	shalt  }
0x6d: {  	_ =	shalt  }
0x6e: {  	_ =	shalt  }
0x6f: {  	_ =	shalt  }
0x70: {  	_ =	shalt  }
0x71: {  	_ =	shalt  }
0x72: {  	_ =	shalt  }
0x73: {  	_ =	shalt  }
0x74: {  	_ =	shalt  }
0x75: {  	_ =	shalt  }
0x76: {  	_ =	shalt  }
0x77: {  	_ =	shalt  }
0x78: {  	_ =	shalt  }
0x79: {  	_ =	shalt  }
0x7a: {  	_ =	shalt  }
0x7b: {  	_ =	shalt  }
0x7c: {  	_ =	shalt  }
0x7d: {  	_ =	shalt  }
0x7e: {  	_ =	shalt  }
0x7f: {  	_ =	shalt  }
0x80: {  	_ =	shalt  }
0x81: {  	_ =	shalt  }
0x82: {  	_ =	shalt  }
0x83: {  	_ =	shalt  }
0x84: {  	_ =	shalt  }
0x85: {  	_ =	shalt  }
0x86: {  	_ =	shalt  }
0x87: {  	_ =	shalt  }
.Lfunc_end0:
.L_simem_size_0:
called_computation_lowered:
.L_overlay_start_0:
0x88: {  	s2 =	sld [smem:$0x3FD9]  }
0x89: {  	s3 =	sld [smem:$0x3FFE];
	_ =	sdelay $0x1  }
0x8a: {  	s1 =	srdreg.scid  }
0x8b: {  	s0 =	sand.u32 $0x1, s1  }
0x8c: {  	s15 =	sshll.u32 s0, $0xA;
	s2 =	sadd.s32 s3, s2  }
0x8d: {  	s2 =	sadd.s32 s2, s15  }
0x8e: {  	[smem:$0x3FC6] =	sst s2  }
0x8f: {  	_ = 	snop  }
0x90: {  	s2 =	sld [smem:$0x3FD0];
	_ =	sdelay $0x1  }
0x91: {  	s16 =	sld [smem:$0x3FC9]  }
0x92: {  	s5 =	simm.s32 $0xA;
	s6 =	simm.s32 $0x10;
	s4 =	sld [smem:$0x3FC8]  }
0x93: {  	[smem:s6], [sflag:s5] =	dma.local [hbm:s2], $0x1  }
0x94: {  	_ =	swait.eq [sflag:s5], $0x1  }
0x95: {  	[sflag:s5] =	ssyncset.done $0x0  }
0x96: {  	s17 =	sld [smem:$0x10];
	[sflag:s5] =	ssyncadd.s32 $0xFFFFFFFF  }
0x97: {  	s18 =	sld [smem:$0x11];
	(tm) =	ssettm $0x1  }
0x98: {  	s19 =	sld [smem:$0x3FFB];
	_ =	sdelay $0x3  }
0x99: {  	_ =	strace s19  }
0x9a: {  	s6 =	sld [smem:$0x3FFC];
	_ =	sdelay $0x3  }
0x9b: {  	_ =	strace s6  }
0x9c: {  	s6 =	sld [smem:$0x3FFD];
	_ =	sdelay $0x3  }
0x9d: {  	_ =	strace s6  }
0x9e: {  	_ =	strace $0x8FFFFFFF  }
0x9f: {  	s20 =	sld [smem:$0x3FDB];
	_ =	sdelay $0x1  }
0xa0: {  	s7 =	simm.s32 $_scs_section_size  }
0xa1: {  	s8 =	simm.s32 $_size__tile_overlayer_lowered;
	s9 =	simm.s32 $_tile_overlayer_lowered  }
0xa2: {  	s23 =	simm.s32 $0x1BFF;
	s22 =	sshll.u32 s9, $0x1;
	s6 =	sadd.s32 s7, s20  }
0xa3: {  	s10 =	simm.s32 $0x0;
	s21 =	sshll.u32 s8, $0x1;
	s8 =	sadd.s32 s22, s6  }
0xa4: {  	[timem:s10], [sflag:s23] =	dma.local [hbm:s8], s21  }
0xa5: {  	_ =	swait.ge [sflag:s23], s21  }
0xa6: {  	s7 =	ssub.s32 $0x0, s21;
	[sflag:s23] =	ssyncset.done $0x0  }
0xa7: {  	[sflag:s23] =	ssyncadd.s32 s7;
	_ =	sdelay $0x1  }
0xa8: {  	s24 =	simm.s32 $0x1B8B  }
0xa9: {  	_ =	swait.ge [sflag:s24], $0x1  }
0xaa: {  	[sflag:s24] =	ssyncset.done $0x0  }
0xab: {  	s25 =	simm.s32 $0x1B8E;
	[sflag:s24] =	ssyncadd.s32 $0xFFFFFFFF  }
0xac: {  	s26 =	simm.s32 $execute0_lowered;
	[smem:$0x3FD2] =	sst s25  }
0xad: {  	s7 =	sshll.u32 s26, $0x1;
	_ =	strace $0x80000046;
	[dreg:$0x1] =	wrdreg $0xFFFFFFFF  }
0xae: {  	s28 =	simm.s32 $_size_execute0_lowered;
	s6 =	sadd.s32 s6, s7;
	[dreg:$0x0] =	wrdreg $0x0  }
0xaf: {  	s7 =	sshll.u32 s28, $0x1;
	[dreg:$0x2] =	wrdreg s6  }
0xb0: {  	[dreg:$0x3] =	wrdreg s7  }
0xb1: {  	[dreg:$0x4] =	wrdreg $0xC0  }
0xb2: {  	_ =	task [dreg:s10], $0x5FFFF  }
0xb3: {  	[dreg:$0x1] =	wrdreg $0xFFFFFFFF  }
0xb4: {  	[dreg:$0x0] =	wrdreg $0x60  }
0xb5: {  	[dreg:$0x2] =	wrdreg s16  }
0xb6: {  	[dreg:$0x3] =	wrdreg s4  }
0xb7: {  	[dreg:$0x4] =	wrdreg s17  }
0xb8: {  	[dreg:$0x5] =	wrdreg s18  }
0xb9: {  	[dreg:$0x6] =	wrdreg $0x9  }
0xba: {  	_ =	task.clear_ibuf [dreg:s10], $0x7FFFF;
	_ =	strace $0x90000046  }
0xbb: {  	s29 =	simm.s32 $0x9;
	_ =	strace $0x80000048  }
0xbc: {  	_ =	swait.ge [sflag:s29], $0x1  }
0xbd: {  	[sflag:s29] =	ssyncadd.s32 $0xFFFFFFFF  }
0xbe: {  	_ =	strace $0x90000048  }
0xbf: {  	_ =	sfence  }
0xc0: {  	s30 =	sld [smem:$0x0];
	_ =	sdelay $0x2  }
0xc1: {  	s31 =	sshll.u32 s1, $0xD;
	s1 =	sshrl.u32 s1, $0x2  }
0xc2: {  	s3 =	sand.u32 $0x4000, s31;
	s1 =	sadd.s32 s1, s30  }
0xc3: {  	s0 =	sor.u32 s3, s0;
	s1 =	sshll.u32 s1, $0x11  }
0xc4: {  	s0 =	sor.u32 s1, s0  }
0xc5: {  	s0 =	sadd.s32 $0x8F2B, s0  }
0xc6: {  	[sflag:s0] =	ssyncadd.remote.s32 $0x1  }
0xc7: {  	_ =	sfence.sel $0xFFFF  }
0xc8: {  	[dreg:$0x0] =	wrdreg $0xFFFFFFFF;
	(pc) =	sbr.abs _section_cstart, $3  }
0xc9: {  	[dreg:$0x1] =	wrdreg $0xFFFFFFFF  }
0xca: {  	_ =	task.clear_ibuf [dreg:s10], $0x2FFFF;
	_ =	strace $0x9FFFFFFF  }
0xcb: {  	(tm) =	ssettm $0x7FFFFFFF  }
tec
execute0_lowered:
.L_overlay_start_1:
0x0: {  	(tag) =	ssettag $0x1  }
0x1: {  	s1 =	rddreg [dreg:$0x0]  }
0x2: {  	s2 =	rddreg [dreg:$0x1]  }
0x3: {  	s3 =	rddreg [dreg:$0x2]  }
0x4: {  	s7 =	rddreg [dreg:$0x3];
	s4 =	srdreg.scid  }
0x5: {  	s0 =	rddreg [dreg:$0x4];
	s5 =	simm.s32 $0x0;
	s12 =	simm.s32 $0x4800  }
0x6: {  	s13 =	simm.s32 $0x1;
	s14 =	simm.s32 $0x400;
	s15 =	simm.s32 $0x8800  }
0x7: {  	s16 =	simm.s32 $0x2;
	s17 =	simm.s32 $0xC800;
	s18 =	simm.s32 $0x3  }
0x8: {  	s19 =	simm.s32 $0x4;
	s20 =	simm.s32 $0x80;
	s21 =	simm.s32 $0x0  }
0x9: {  	s6 =	sand.u32 $0x1, s4;
	[smem:$0x7FF] =	sst s5;
	s4 =	stileid.u32  }
0xa: {  	s8 =	ssub.s32 $0x2, s6;
	_ =	strace $0x80000047;
	s10 =	sshll.u32 s4, $0x1  }
0xb: {  	s31 =	sshll.u32 s4, $0x8;
	s9 =	sshrl.u32 s8, $0x1;
	s30 =	sor.u32 s6, s10  }
0xc: {  	s10 =	sand.u32 $0xC00, s31;
	s9 =	ssub.s32 s8, s9;
	s6 =	sshll.u32 s30, $0x13  }
0xd: {  	s11 =	sshll.u32 s30, $0x4;
	s8 =	sshll.u32 s30, $0x10;
	s10 =	sadd.s32 s7, s10  }
0xe: {  	s11 =	sand.u32 $0x70, s11;
	s7 =	sadd.s32 s1, s8;
	s9 =	smax.u32 s9, $0x1  }
0xf: {  	v0 =	vimm.s32 $0x0;
	v1 =	vimm.s32 $0x1;
	s8 =	sadd.s32 s11, s10;
	s10 =	simm.s32 $0x5;
	s11 =	simm.s32 $0x800  }
.LBB2_1:
0x10: {  	[tilespmem:s5], [sflag:$0x5] =	stream.linear.gather [hbm4b:s2+s5], $0x400, $0x38;
	[tilespmem:$0x10800] =	vst v63  }
0x11: {  	_ =	swait.ge [sflag:s10], $0x400  }
0x12: {  	[sflag:s10] =	ssyncset.done $0x0  }
0x13: {  	s22 =	simm.s32 $0x40;
	s23 =	simm.s32 $0x0;
	[sflag:s10] =	ssyncadd.s32 $0xFFFFFC00  }
.LBB2_2:
0x14: {  	p0 =	sne.s32 s22, $0xFC0;
	[tilespmem:s23+$0x400] =	vst v0;
	s23 =	smov.u32 s22;
	s22 =	sadd.s32 $0x40, s22  }
.Ltmp0:
0x15: {  	(pc) =	sbr.rel @p0 .LBB2_2-.Ltmp0, $2  }
0x16: {  	_ =	sdelay $0x2  }
0x17: {  	s23 =	sshra.s32 s23, $0x2  }
0x18: {  	[tilespmem:s23+$0x400] =	vst v0;
	s22 =	simm.s32 $0x0  }
0x19: {  	[tilespmem:s11], [sflag:$0x1] =	stream.linear.gather [hbm4b:s7+s22], $0x4000, $0x38;
	[tilespmem:$0x10800] =	vst v63  }
.LBB2_4:
0x1a: {  	s23 =	sshll.u32 s22, $0xF  }
0x1b: {  	s24 =	sadd.s32 s6, s23  }
0x1c: {  	s25 =	sshrl.u32 s24, $0x3  }
0x1d: {  	s23 =	sor.u32 $0x800, s25  }
0x1e: {  	p0 =	seq.s32 s22, $0x0;
	s26 =	sadd.s32 s1, s23  }
0x1f: {  	[tilespmem:s12], [sflag:$0x2] =	stream.linear.gather [hbm4b:s26+s5], $0x4000, $0x38;
	[tilespmem:$0x10800] =	vst v63  }
0x20: {  	s26 =	simm.s32 @!p0 $0x3  }
0x21: {  	_ =	swait.ge @!p0 [sflag:s26], $0x4000  }
0x22: {  	[sflag:s26] =	ssyncset.done @!p0 $0x0  }
0x23: {  	[sflag:s26] =	ssyncadd.s32 @!p0 $0xFFFFC000  }
0x24: {  	_ =	swait.ge [sflag:s13], $0x4000  }
0x25: {  	[sflag:s13] =	ssyncset.done $0x0  }
0x26: {  	s31 =	simm.s32 $0x840;
	[sflag:s13] =	ssyncadd.s32 $0xFFFFC000  }
0x27: {  	v2 =	vld [tilespmem:s31+$0x0]  }
0x28: {  	v3 =	vld [tilespmem:s31+$0xFFFFFFE0]  }
0x29: {  	v4 =	vld [tilespmem:s31+$0xFFFFFFF0]  }
0x2a: {  	v5 =	vld [tilespmem:s31+$0xFFFFFFD0]  }
0x2b: {  	v6 =	vld [tilespmem:s31+$0x20]  }
0x2c: {  	v7 =	vld [tilespmem:s31+$0xFFFFFFC0]  }
0x2d: {  	v8 =	vld [tilespmem:s31+$0x30]  }
0x2e: {  	v9 =	vld [tilespmem:s31+$0x10];
	s31 =	simm.s32 $0x8C0  }
0x2f: {  	v10 =	vld [tilespmem:s31+$0x0]  }
0x30: {  	v2 =	vmul.f32 $1.278750000e+02, v2  }
0x31: {  	v4 =	vmul.f32 $1.278750000e+02, v4;
	v3 =	vmul.f32 $1.278750000e+02, v3  }
0x32: {  	v5 =	vmul.f32 $1.278750000e+02, v5;
	v6 =	vmul.f32 $1.278750000e+02, v6;
	v2 =	vadd.f32 $5.124990230e+02, v2  }
0x33: {  	v7 =	vmul.f32 $1.278750000e+02, v7;
	v4 =	vadd.f32 $5.124990230e+02, v4;
	v3 =	vadd.f32 $5.124990230e+02, v3  }
0x34: {  	v10 =	vmul.f32 $1.278750000e+02, v10;
	v5 =	vadd.f32 $5.124990230e+02, v5;
	v6 =	vadd.f32 $5.124990230e+02, v6  }
0x35: {  	v2 =	vmax.f32 v2, $0.0e+00;
	v4 =	vmax.f32 v4, $0.0e+00;
	v3 =	vmax.f32 v3, $0.0e+00  }
0x36: {  	v5 =	vmax.f32 v5, $0.0e+00;
	v6 =	vmax.f32 v6, $0.0e+00;
	v3 =	vmin.f32 v3, $1.023000000e+03  }
0x37: {  	v5 =	vmin.f32 v5, $1.023000000e+03;
	v2 =	vmin.f32 v2, $1.023000000e+03;
	v3 =	vtrunc.f32 v3  }
0x38: {  	s28 =	simm.s32 $0x940;
	v4 =	vmin.f32 v4, $1.023000000e+03;
	v5 =	vtrunc.f32 v5;
	v2 =	vtrunc.f32 v2  }
0x39: {  	v24 =	vld [tilespmem:s28+$0x0];
	v13 =	vcvt.f32.s32 v5;
	v5 =	vmin.f32 v6, $1.023000000e+03;
	v6 =	vmul.f32 $1.278750000e+02, v8  }
0x3a: {  	v26 =	vld [tilespmem:s28+$0xFFFFFFC0];
	v12 =	vcvt.f32.s32 v3;
	v3 =	vtrunc.f32 v4  }
0x3b: {  	v7 =	vadd.f32 $5.124990230e+02, v7;
	v8 =	vld [tilespmem:s31+$0xFFFFFFF0];
	v15 =	vcvt.f32.s32 v2;
	v2 =	vmul.f32 $1.278750000e+02, v9  }
0x3c: {  	v11 =	vld [tilespmem:s31+$0xFFFFFFC0];
	v10 =	vadd.f32 $5.124990230e+02, v10;
	v14 =	vcvt.f32.s32 v3;
	v3 =	vtrunc.f32 v5  }
0x3d: {  	v7 =	vmax.f32 v7, $0.0e+00;
	v5 =	vld [tilespmem:s31+$0xFFFFFFE0];
	v16 =	vcvt.f32.s32 v3;
	v3 =	vadd.f32 $5.124990230e+02, v6  }
0x3e: {  	v7 =	vmin.f32 v7, $1.023000000e+03;
	v6 =	vld [tilespmem:s31+$0xFFFFFFD0];
	v2 =	vadd.f32 $5.124990230e+02, v2  }
0x3f: {  	v18 =	vld [tilespmem:s31+$0x30];
	v10 =	vmax.f32 v10, $0.0e+00;
	v7 =	vtrunc.f32 v7;
	v3 =	vmax.f32 v3, $0.0e+00  }
0x40: {  	v4 =	vld [tilespmem:s31+$0x20];
	v2 =	vmax.f32 v2, $0.0e+00;
	v8 =	vmul.f32 $1.278750000e+02, v8;
	v3 =	vmin.f32 v3, $1.023000000e+03  }
0x41: {  	v9 =	vmul.f32 $1.278750000e+02, v11;
	v2 =	vmin.f32 v2, $1.023000000e+03;
	v3 =	vtrunc.f32 v3;
	v22 =	vld.idx.msk [tilespmem:v15+s5+$0x0], $0xffff  }
0x42: {  	v11 =	vld.idx.msk [tilespmem:v12+s5+$0x0], $0xffff;
	v5 =	vmul.f32 $1.278750000e+02, v5;
	v8 =	vadd.f32 $5.124990230e+02, v8;
	v20 =	vcvt.f32.s32 v3  }
0x43: {  	v10 =	vmin.f32 v10, $1.023000000e+03;
	v2 =	vtrunc.f32 v2;
	v6 =	vmul.f32 $1.278750000e+02, v6;
	v19 =	vld.idx.msk [tilespmem:v14+s5+$0x0], $0xffff  }
0x44: {  	v23 =	vld [tilespmem:s31+$0x10];
	v3 =	vcvt.f32.s32 v7;
	v7 =	vcvt.f32.s32 v2;
	v8 =	vmax.f32 v8, $0.0e+00  }
0x45: {  	v10 =	vtrunc.f32 v10;
	s31 =	simm.s32 $0x8840;
	v17 =	vld.idx.msk [tilespmem:v13+s5+$0x0], $0xffff;
	v5 =	vadd.f32 $5.124990230e+02, v5;
	v8 =	vmin.f32 v8, $1.023000000e+03  }
0x46: {  	v4 =	vmul.f32 $1.278750000e+02, v4;
	v21 =	vld.idx.msk [tilespmem:v16+s5+$0x0], $0xffff;
	v6 =	vadd.f32 $5.124990230e+02, v6;
	v8 =	vtrunc.f32 v8;
	[tilespmem:s31+$0x0] =	vst v22  }
0x47: {  	v5 =	vmax.f32 v5, $0.0e+00;
	v22 =	vadd.f32 $5.124990230e+02, v9;
	[tilespmem:s31+$0xFFFFFFE0] =	vst v11;
	v9 =	vcvt.f32.s32 v8;
	v8 =	vld [tilespmem:s28+$0xFFFFFFD0]  }
0x48: {  	v4 =	vadd.f32 $5.124990230e+02, v4;
	v6 =	vmax.f32 v6, $0.0e+00;
	v5 =	vmin.f32 v5, $1.023000000e+03;
	[tilespmem:s31+$0xFFFFFFF0] =	vst v19;
	v19 =	vld.idx.msk [tilespmem:v20+s5+$0x0], $0xffff  }
0x49: {  	v11 =	vcvt.f32.s32 v10;
	v6 =	vmin.f32 v6, $1.023000000e+03;
	v5 =	vtrunc.f32 v5;
	[tilespmem:v14+s14+$0x0] =	vst.idx.msk $0xffff, v1;
	v14 =	vld [tilespmem:s28+$0xFFFFFFF0]  }
0x4a: {  	v4 =	vmax.f32 v4, $0.0e+00;
	[tilespmem:s31+$0xFFFFFFD0] =	vst v17;
	v6 =	vtrunc.f32 v6;
	v5 =	vcvt.f32.s32 v5;
	v17 =	vld.idx.msk [tilespmem:v7+s5+$0x0], $0xffff  }
0x4b: {  	v4 =	vmin.f32 v4, $1.023000000e+03;
	[tilespmem:v15+s14+$0x0] =	vst.idx.msk $0xffff, v1;
	v2 =	vcvt.f32.s32 v6;
	v6 =	vmul.f32 $1.278750000e+02, v18;
	v18 =	vld [tilespmem:s28+$0x20]  }
0x4c: {  	v25 =	vld [tilespmem:s28+$0xFFFFFFE0];
	v23 =	vmul.f32 $1.278750000e+02, v23;
	v4 =	vtrunc.f32 v4;
	[tilespmem:v12+s14+$0x0] =	vst.idx.msk $0xffff, v1;
	v22 =	vmax.f32 v22, $0.0e+00  }
0x4d: {  	v4 =	vcvt.f32.s32 v4;
	[tilespmem:s31+$0x20] =	vst v21;
	v10 =	vmin.f32 v22, $1.023000000e+03;
	v15 =	vadd.f32 $5.124990230e+02, v6  }
0x4e: {  	v27 =	vld.idx.msk [tilespmem:v3+s5+$0x0], $0xffff;
	[tilespmem:v16+s14+$0x0] =	vst.idx.msk $0xffff, v1;
	v22 =	vtrunc.f32 v10;
	v6 =	vmul.f32 $1.278750000e+02, v26  }
0x4f: {  	v16 =	vmul.f32 $1.278750000e+02, v8;
	v12 =	vmax.f32 v15, $0.0e+00;
	v15 =	vmul.f32 $1.278750000e+02, v24;
	[tilespmem:s31+$0x10] =	vst v17;
	v17 =	vld [tilespmem:s28+$0x10]  }
0x50: {  	[tilespmem:s31+$0x30] =	vst v19;
	v19 =	vmul.f32 $1.278750000e+02, v14;
	v26 =	vmul.f32 $1.278750000e+02, v18;
	v14 =	vld.idx.msk [tilespmem:v5+s5+$0x0], $0xffff;
	v12 =	vmin.f32 v12, $1.023000000e+03  }
0x51: {  	v23 =	vadd.f32 $5.124990230e+02, v23;
	v18 =	vmul.f32 $1.278750000e+02, v25;
	[tilespmem:v20+s14+$0x0] =	vst.idx.msk $0xffff, v1;
	v20 =	vld.idx.msk [tilespmem:v11+s5+$0x0], $0xffff;
	v12 =	vtrunc.f32 v12  }
0x52: {  	v10 =	vld.idx.msk [tilespmem:v2+s5+$0x0], $0xffff;
	v21 =	vadd.f32 $5.124990230e+02, v15;
	v25 =	vadd.f32 $5.124990230e+02, v19;
	v8 =	vcvt.f32.s32 v12  }
0x53: {  	v24 =	vmax.f32 v23, $0.0e+00;
	v23 =	vadd.f32 $5.124990230e+02, v16;
	v19 =	vld.idx.msk [tilespmem:v9+s5+$0x0], $0xffff;
	v28 =	vadd.f32 $5.124990230e+02, v18  }
0x54: {  	s29 =	simm.s32 $0x100;
	[tilespmem:v13+s14+$0x0] =	vst.idx.msk $0xffff, v1;
	v16 =	vcvt.f32.s32 v22;
	v15 =	vld [tilespmem:s28+$0x30];
	v18 =	vmax.f32 v21, $0.0e+00;
	v21 =	vmax.f32 v25, $0.0e+00  }
0x55: {  	s30 =	simm.s32 $0x9C0;
	s26 =	simm.s32 $0x88C0;
	[tilespmem:s31+$0xFFFFFFC0] =	vst v27;
	s28 =	simm.s32 $0x88C0;
	v12 =	vld.idx.msk [tilespmem:v4+s5+$0x0], $0xffff;
	v25 =	vmax.f32 v28, $0.0e+00;
	v22 =	vmin.f32 v21, $1.023000000e+03;
	v21 =	vadd.f32 $5.124990230e+02, v26  }
.LBB2_5:
0x56: {  	v13 =	vld [tilespmem:s30+$0x0];
	s29 =	sadd.s32 $0x80, s29;
	v23 =	vmax.f32 v23, $0.0e+00;
	v25 =	vmin.f32 v25, $1.023000000e+03;
	v24 =	vmin.f32 v24, $1.023000000e+03;
	s26 =	sadd.s32 $0x80, s26;
	[tilespmem:v7+s14+$0x0] =	vst.idx.msk $0xffff, v1  }
0x57: {  	v26 =	vld [tilespmem:s30+$0xFFFFFFE0];
	p0 =	slt.u32 s29, $0x3F80;
	v7 =	vmin.f32 v23, $1.023000000e+03;
	v23 =	vtrunc.f32 v25;
	v24 =	vtrunc.f32 v24;
	[tilespmem:v3+s14+$0x0] =	vst.idx.msk $0xffff, v1;
	v3 =	vmovc v16  }
0x58: {  	v21 =	vmax.f32 v21, $0.0e+00;
	v16 =	vtrunc.f32 v7;
	[tilespmem:s28+$0xFFFFFFF0] =	vst v19;
	v7 =	vcvt.f32.s32 v24;
	v19 =	vld.idx.msk [tilespmem:v8+s5+$0x0], $0xffff  }
0x59: {  	v15 =	vmul.f32 $1.278750000e+02, v15;
	v24 =	vld [tilespmem:s30+$0xFFFFFFC0];
	v27 =	vcvt.f32.s32 v16;
	v16 =	vmin.f32 v21, $1.023000000e+03;
	[tilespmem:v9+s14+$0x0] =	vst.idx.msk $0xffff, v1  }
0x5a: {  	v18 =	vmin.f32 v18, $1.023000000e+03;
	v23 =	vcvt.f32.s32 v23;
	v9 =	vtrunc.f32 v22;
	v21 =	vld [tilespmem:s30+$0xFFFFFFF0];
	[tilespmem:s28+$0x0] =	vst v20  }
0x5b: {  	v6 =	vadd.f32 $5.124990230e+02, v6;
	v9 =	vcvt.f32.s32 v9;
	v16 =	vtrunc.f32 v16;
	v20 =	vld [tilespmem:s30+$0x20];
	[tilespmem:v11+s14+$0x0] =	vst.idx.msk $0xffff, v1  }
0x5c: {  	v15 =	vadd.f32 $5.124990230e+02, v15;
	v11 =	vtrunc.f32 v18;
	v16 =	vcvt.f32.s32 v16;
	v22 =	vld [tilespmem:s30+$0xFFFFFFD0];
	[tilespmem:s28+$0xFFFFFFE0] =	vst v14  }
0x5d: {  	v17 =	vmul.f32 $1.278750000e+02, v17;
	v14 =	vmax.f32 v6, $0.0e+00;
	v11 =	vcvt.f32.s32 v11;
	v25 =	vld.idx.msk [tilespmem:v3+s5+$0x0], $0xffff;
	[tilespmem:v5+s14+$0x0] =	vst.idx.msk $0xffff, v1;
	v5 =	vmovc v23  }
0x5e: {  	v15 =	vmax.f32 v15, $0.0e+00;
	v14 =	vmin.f32 v14, $1.023000000e+03;
	v6 =	vmul.f32 $1.278750000e+02, v24;
	[tilespmem:s28+$0xFFFFFFD0] =	vst v10;
	v28 =	vld.idx.msk [tilespmem:v7+s5+$0x0], $0xffff  }
0x5f: {  	v13 =	vmul.f32 $1.278750000e+02, v13;
	v17 =	vadd.f32 $5.124990230e+02, v17;
	v29 =	vtrunc.f32 v14;
	v10 =	vld.idx.msk [tilespmem:v27+s5+$0x0], $0xffff;
	[tilespmem:s28+$0x30] =	vst v19  }
0x60: {  	v18 =	vmul.f32 $1.278750000e+02, v21;
	v19 =	vmin.f32 v15, $1.023000000e+03;
	v21 =	vmul.f32 $1.278750000e+02, v20;
	v14 =	vld.idx.msk [tilespmem:v23+s5+$0x0], $0xffff;
	[tilespmem:s28+$0x20] =	vst v12  }
.Ltmp1:
0x61: {  	v13 =	vadd.f32 $5.124990230e+02, v13;
	v12 =	vmul.f32 $1.278750000e+02, v26;
	v20 =	vtrunc.f32 v19;
	v15 =	vld [tilespmem:s30+$0x30];
	[tilespmem:v4+s14+$0x0] =	vst.idx.msk $0xffff, v1;
	v4 =	vmovc v16;
	(pc) =	sbr.rel @p0 .LBB2_5-.Ltmp1, $4  }
0x62: {  	v22 =	vmul.f32 $1.278750000e+02, v22;
	v26 =	vadd.f32 $5.124990230e+02, v18;
	v19 =	vld.idx.msk [tilespmem:v9+s5+$0x0], $0xffff;
	[tilespmem:v8+s14+$0x0] =	vst.idx.msk $0xffff, v1;
	v8 =	vcvt.f32.s32 v20  }
0x63: {  	v24 =	vmax.f32 v17, $0.0e+00;
	v18 =	vmax.f32 v13, $0.0e+00;
	v30 =	vadd.f32 $5.124990230e+02, v12;
	v12 =	vld.idx.msk [tilespmem:v16+s5+$0x0], $0xffff;
	[tilespmem:s28+$0xFFFFFFC0] =	vst v25  }
0x64: {  	v23 =	vadd.f32 $5.124990230e+02, v22;
	v13 =	vmax.f32 v26, $0.0e+00;
	v16 =	vcvt.f32.s32 v29;
	v20 =	vld.idx.msk [tilespmem:v11+s5+$0x0], $0xffff;
	[tilespmem:s28+$0x10] =	vst v28;
	s28 =	smov.u32 s26  }
0x65: {  	v21 =	vadd.f32 $5.124990230e+02, v21;
	v25 =	vmax.f32 v30, $0.0e+00;
	v22 =	vmin.f32 v13, $1.023000000e+03;
	v17 =	vld [tilespmem:s30+$0x10];
	s30 =	sadd.s32 $0x80, s30;
	[tilespmem:v2+s14+$0x0] =	vst.idx.msk $0xffff, v1;
	v2 =	vmovc v27  }
0x66: {  	_ =	sdelay $0x3  }
0x67: {  	[tilespmem:v7+s14+$0x0] =	vst.idx.msk $0xffff, v1  }
0x68: {  	[tilespmem:v3+s14+$0x0] =	vst.idx.msk $0xffff, v1  }
0x69: {  	[tilespmem:s28+$0xFFFFFFE0] =	vst v14  }
0x6a: {  	v7 =	vmin.f32 v24, $1.023000000e+03;
	[tilespmem:s28+$0xFFFFFFF0] =	vst v19  }
0x6b: {  	v3 =	vtrunc.f32 v7;
	[tilespmem:v5+s14+$0x0] =	vst.idx.msk $0xffff, v1  }
0x6c: {  	v3 =	vcvt.f32.s32 v3;
	[tilespmem:v9+s14+$0x0] =	vst.idx.msk $0xffff, v1  }
0x6d: {  	v5 =	vmax.f32 v23, $0.0e+00;
	v9 =	vtrunc.f32 v22;
	[tilespmem:s28+$0x20] =	vst v12  }
0x6e: {  	v7 =	vld.idx.msk [tilespmem:v8+s5+$0x0], $0xffff;
	v5 =	vmin.f32 v5, $1.023000000e+03;
	[tilespmem:s28+$0x0] =	vst v20;
	v9 =	vcvt.f32.s32 v9  }
0x6f: {  	v5 =	vtrunc.f32 v5;
	[tilespmem:v4+s14+$0x0] =	vst.idx.msk $0xffff, v1  }
0x70: {  	v13 =	vmin.f32 v18, $1.023000000e+03;
	[tilespmem:v11+s14+$0x0] =	vst.idx.msk $0xffff, v1;
	v11 =	vmul.f32 $1.278750000e+02, v15;
	v15 =	vld.idx.msk [tilespmem:v16+s5+$0x0], $0xffff;
	v4 =	vcvt.f32.s32 v5  }
0x71: {  	v14 =	vmin.f32 v25, $1.023000000e+03;
	[tilespmem:s28+$0xFFFFFFD0] =	vst v10;
	v6 =	vadd.f32 $5.124990230e+02, v6;
	v13 =	vtrunc.f32 v13  }
0x72: {  	[tilespmem:v2+s14+$0x0] =	vst.idx.msk $0xffff, v1;
	v5 =	vmul.f32 $1.278750000e+02, v17;
	v10 =	vadd.f32 $5.124990230e+02, v11;
	v11 =	vcvt.f32.s32 v13;
	v13 =	vld.idx.msk [tilespmem:v3+s5+$0x0], $0xffff  }
0x73: {  	v12 =	vmax.f32 v21, $0.0e+00;
	v6 =	vmax.f32 v6, $0.0e+00;
	[tilespmem:s28+$0x30] =	vst v7;
	v7 =	vtrunc.f32 v14  }
0x74: {  	v5 =	vadd.f32 $5.124990230e+02, v5;
	v7 =	vcvt.f32.s32 v7;
	[tilespmem:v8+s14+$0x0] =	vst.idx.msk $0xffff, v1;
	v8 =	vmin.f32 v12, $1.023000000e+03;
	v12 =	vld.idx.msk [tilespmem:v9+s5+$0x0], $0xffff  }
0x75: {  	v2 =	vmin.f32 v6, $1.023000000e+03;
	v10 =	vmax.f32 v10, $0.0e+00;
	v8 =	vtrunc.f32 v8;
	[tilespmem:s28+$0xFFFFFFC0] =	vst v15  }
0x76: {  	v5 =	vmax.f32 v5, $0.0e+00;
	v10 =	vmin.f32 v10, $1.023000000e+03;
	v8 =	vcvt.f32.s32 v8;
	[tilespmem:v16+s14+$0x0] =	vst.idx.msk $0xffff, v1;
	v6 =	vld.idx.msk [tilespmem:v4+s5+$0x0], $0xffff  }
0x77: {  	v5 =	vmin.f32 v5, $1.023000000e+03;
	v10 =	vtrunc.f32 v10;
	[tilespmem:s28+$0x10] =	vst v13  }
0x78: {  	s26 =	sadd.s32 $0x80, s26;
	v5 =	vtrunc.f32 v5;
	v10 =	vcvt.f32.s32 v10;
	v13 =	vld.idx.msk [tilespmem:v11+s5+$0x0], $0xffff;
	[tilespmem:v3+s14+$0x0] =	vst.idx.msk $0xffff, v1  }
0x79: {  	v5 =	vcvt.f32.s32 v5;
	[tilespmem:s26+$0xFFFFFFF0] =	vst v12  }
0x7a: {  	v3 =	vld.idx.msk [tilespmem:v7+s5+$0x0], $0xffff;
	[tilespmem:v9+s14+$0x0] =	vst.idx.msk $0xffff, v1  }
0x7b: {  	v2 =	vtrunc.f32 v2;
	[tilespmem:s26+$0xFFFFFFD0] =	vst v6  }
0x7c: {  	v2 =	vcvt.f32.s32 v2;
	v12 =	vld.idx.msk [tilespmem:v8+s5+$0x0], $0xffff;
	[tilespmem:v4+s14+$0x0] =	vst.idx.msk $0xffff, v1  }
0x7d: {  	[tilespmem:s26+$0x0] =	vst v13  }
0x7e: {  	v9 =	vld.idx.msk [tilespmem:v10+s5+$0x0], $0xffff;
	[tilespmem:v11+s14+$0x0] =	vst.idx.msk $0xffff, v1  }
0x7f: {  	v6 =	vld.idx.msk [tilespmem:v5+s5+$0x0], $0xffff;
	[tilespmem:s26+$0xFFFFFFE0] =	vst v3  }
0x80: {  	[tilespmem:v7+s14+$0x0] =	vst.idx.msk $0xffff, v1  }
0x81: {  	[tilespmem:s26+$0x20] =	vst v12  }
0x82: {  	v3 =	vld.idx.msk [tilespmem:v2+s5+$0x0], $0xffff;
	[tilespmem:v8+s14+$0x0] =	vst.idx.msk $0xffff, v1  }
0x83: {  	[tilespmem:s26+$0x30] =	vst v9  }
0x84: {  	[tilespmem:s26+$0x10] =	vst v6  }
0x85: {  	[tilespmem:v10+s14+$0x0] =	vst.idx.msk $0xffff, v1  }
0x86: {  	p0 =	seq.s32 s22, $0xF;
	[tilespmem:v5+s14+$0x0] =	vst.idx.msk $0xffff, v1  }
0x87: {  	s24 =	sshrl.u32 @!p0 s24, $0x3;
	[tilespmem:s26+$0xFFFFFFC0] =	vst v3  }
0x88: {  	s25 =	sadd.s32 s3, s25;
	p1 =	seq.s32 @!p0 s22, $0x0;
	s24 =	sadd.s32 @!p0 s1, s24;
	[tilespmem:v2+s14+$0x0] =	vst.idx.msk $0xffff, v1  }
0x89: {  	[hbm4b:s25+s5] =	stream.linear.scatter [tilespmem:s15], [sflag:$0x3], $0x4000, $0x38;
	[tilespmem:$0x10800] =	vst v63  }
0x8a: {  	s24 =	sadd.s32 @!p0 $0x1000, s24;
	s26 =	simm.s32 @!p0 $0x800;
	s25 =	simm.s32 @!p0 $0x0  }
0x8b: {  	[tilespmem:s26], [sflag:$0x1] =	stream.linear.gather @!p0 [hbm4b:s24+s25], $0x4000, $0x38;
	[tilespmem:$0x10800] =	vst v63  }
0x8c: {  	p0 =	por p0, !p1  }
0x8d: {  	_ =	swait.ge @p0 [sflag:s19], $0x4000  }
0x8e: {  	[sflag:s19] =	ssyncset.done @p0 $0x0  }
0x8f: {  	[sflag:s19] =	ssyncadd.s32 @p0 $0xFFFFC000  }
0x90: {  	_ =	swait.ge [sflag:s16], $0x4000  }
0x91: {  	[sflag:s16] =	ssyncset.done $0x0  }
0x92: {  	s26 =	simm.s32 $0x4840;
	[sflag:s16] =	ssyncadd.s32 $0xFFFFC000  }
0x93: {  	v2 =	vld [tilespmem:s26+$0x0]  }
0x94: {  	v3 =	vld [tilespmem:s26+$0xFFFFFFE0]  }
0x95: {  	v4 =	vld [tilespmem:s26+$0xFFFFFFF0]  }
0x96: {  	v5 =	vld [tilespmem:s26+$0xFFFFFFD0]  }
0x97: {  	v6 =	vld [tilespmem:s26+$0x20]  }
0x98: {  	s29 =	simm.s32 $0x48C0;
	v7 =	vld [tilespmem:s26+$0xFFFFFFC0]  }
0x99: {  	v10 =	vld [tilespmem:s29+$0x0]  }
0x9a: {  	v2 =	vmul.f32 $1.278750000e+02, v2  }
0x9b: {  	v4 =	vmul.f32 $1.278750000e+02, v4;
	v3 =	vmul.f32 $1.278750000e+02, v3  }
0x9c: {  	v5 =	vmul.f32 $1.278750000e+02, v5;
	v6 =	vmul.f32 $1.278750000e+02, v6;
	v2 =	vadd.f32 $5.124990230e+02, v2  }
0x9d: {  	v7 =	vmul.f32 $1.278750000e+02, v7;
	v4 =	vadd.f32 $5.124990230e+02, v4;
	v3 =	vadd.f32 $5.124990230e+02, v3  }
0x9e: {  	v8 =	vld [tilespmem:s26+$0x30];
	v10 =	vmul.f32 $1.278750000e+02, v10;
	v5 =	vadd.f32 $5.124990230e+02, v5;
	v6 =	vadd.f32 $5.124990230e+02, v6  }
0x9f: {  	v2 =	vmax.f32 v2, $0.0e+00;
	v4 =	vmax.f32 v4, $0.0e+00;
	v3 =	vmax.f32 v3, $0.0e+00  }
0xa0: {  	v9 =	vld [tilespmem:s26+$0x10];
	v5 =	vmax.f32 v5, $0.0e+00;
	v6 =	vmax.f32 v6, $0.0e+00;
	v3 =	vmin.f32 v3, $1.023000000e+03  }
0xa1: {  	v5 =	vmin.f32 v5, $1.023000000e+03;
	v2 =	vmin.f32 v2, $1.023000000e+03;
	v3 =	vtrunc.f32 v3  }
0xa2: {  	v4 =	vmin.f32 v4, $1.023000000e+03;
	v5 =	vtrunc.f32 v5;
	v2 =	vtrunc.f32 v2  }
0xa3: {  	v11 =	vld [tilespmem:s29+$0xFFFFFFC0];
	v13 =	vcvt.f32.s32 v5;
	v5 =	vmin.f32 v6, $1.023000000e+03;
	v6 =	vmul.f32 $1.278750000e+02, v8  }
0xa4: {  	v18 =	vld [tilespmem:s29+$0x30];
	v12 =	vcvt.f32.s32 v3;
	v3 =	vtrunc.f32 v4  }
0xa5: {  	v7 =	vadd.f32 $5.124990230e+02, v7;
	v8 =	vld [tilespmem:s29+$0xFFFFFFF0];
	v15 =	vcvt.f32.s32 v2;
	v2 =	vmul.f32 $1.278750000e+02, v9  }
0xa6: {  	v23 =	vld [tilespmem:s29+$0x10];
	v10 =	vadd.f32 $5.124990230e+02, v10;
	v14 =	vcvt.f32.s32 v3;
	v3 =	vtrunc.f32 v5  }
0xa7: {  	v7 =	vmax.f32 v7, $0.0e+00;
	v5 =	vld [tilespmem:s29+$0xFFFFFFE0];
	v16 =	vcvt.f32.s32 v3;
	v3 =	vadd.f32 $5.124990230e+02, v6  }
0xa8: {  	s30 =	simm.s32 $0x4940;
	v7 =	vmin.f32 v7, $1.023000000e+03;
	v6 =	vld [tilespmem:s29+$0xFFFFFFD0];
	v2 =	vadd.f32 $5.124990230e+02, v2  }
0xa9: {  	v24 =	vld [tilespmem:s30+$0x0];
	v10 =	vmax.f32 v10, $0.0e+00;
	v7 =	vtrunc.f32 v7;
	v3 =	vmax.f32 v3, $0.0e+00  }
0xaa: {  	v4 =	vld [tilespmem:s29+$0x20];
	v2 =	vmax.f32 v2, $0.0e+00;
	v8 =	vmul.f32 $1.278750000e+02, v8;
	v3 =	vmin.f32 v3, $1.023000000e+03  }
0xab: {  	v9 =	vmul.f32 $1.278750000e+02, v11;
	v2 =	vmin.f32 v2, $1.023000000e+03;
	v3 =	vtrunc.f32 v3;
	v22 =	vld.idx.msk [tilespmem:v15+s5+$0x0], $0xffff  }
0xac: {  	v11 =	vld.idx.msk [tilespmem:v12+s5+$0x0], $0xffff;
	v5 =	vmul.f32 $1.278750000e+02, v5;
	v8 =	vadd.f32 $5.124990230e+02, v8;
	v20 =	vcvt.f32.s32 v3  }
0xad: {  	v10 =	vmin.f32 v10, $1.023000000e+03;
	v2 =	vtrunc.f32 v2;
	v6 =	vmul.f32 $1.278750000e+02, v6;
	v19 =	vld.idx.msk [tilespmem:v14+s5+$0x0], $0xffff  }
0xae: {  	v26 =	vld [tilespmem:s30+$0xFFFFFFC0];
	v3 =	vcvt.f32.s32 v7;
	v7 =	vcvt.f32.s32 v2;
	v8 =	vmax.f32 v8, $0.0e+00  }
0xaf: {  	s31 =	simm.s32 $0xC840;
	v10 =	vtrunc.f32 v10;
	v17 =	vld.idx.msk [tilespmem:v13+s5+$0x0], $0xffff;
	v5 =	vadd.f32 $5.124990230e+02, v5;
	v8 =	vmin.f32 v8, $1.023000000e+03  }
0xb0: {  	v4 =	vmul.f32 $1.278750000e+02, v4;
	v21 =	vld.idx.msk [tilespmem:v16+s5+$0x0], $0xffff;
	v6 =	vadd.f32 $5.124990230e+02, v6;
	v8 =	vtrunc.f32 v8;
	[tilespmem:s31+$0x0] =	vst v22  }
0xb1: {  	v5 =	vmax.f32 v5, $0.0e+00;
	v22 =	vadd.f32 $5.124990230e+02, v9;
	[tilespmem:s31+$0xFFFFFFE0] =	vst v11;
	v9 =	vcvt.f32.s32 v8;
	v8 =	vld [tilespmem:s30+$0xFFFFFFD0]  }
0xb2: {  	v4 =	vadd.f32 $5.124990230e+02, v4;
	v6 =	vmax.f32 v6, $0.0e+00;
	v5 =	vmin.f32 v5, $1.023000000e+03;
	[tilespmem:s31+$0xFFFFFFF0] =	vst v19;
	v19 =	vld.idx.msk [tilespmem:v20+s5+$0x0], $0xffff  }
0xb3: {  	v11 =	vcvt.f32.s32 v10;
	v6 =	vmin.f32 v6, $1.023000000e+03;
	v5 =	vtrunc.f32 v5;
	[tilespmem:v14+s14+$0x0] =	vst.idx.msk $0xffff, v1;
	v14 =	vld [tilespmem:s30+$0xFFFFFFF0]  }
0xb4: {  	v4 =	vmax.f32 v4, $0.0e+00;
	[tilespmem:s31+$0xFFFFFFD0] =	vst v17;
	v6 =	vtrunc.f32 v6;
	v5 =	vcvt.f32.s32 v5;
	v17 =	vld.idx.msk [tilespmem:v7+s5+$0x0], $0xffff  }
0xb5: {  	v4 =	vmin.f32 v4, $1.023000000e+03;
	[tilespmem:v15+s14+$0x0] =	vst.idx.msk $0xffff, v1;
	v2 =	vcvt.f32.s32 v6;
	v6 =	vmul.f32 $1.278750000e+02, v18;
	v18 =	vld [tilespmem:s30+$0x20]  }
0xb6: {  	v25 =	vld [tilespmem:s30+$0xFFFFFFE0];
	v23 =	vmul.f32 $1.278750000e+02, v23;
	v4 =	vtrunc.f32 v4;
	[tilespmem:v12+s14+$0x0] =	vst.idx.msk $0xffff, v1;
	v22 =	vmax.f32 v22, $0.0e+00  }
0xb7: {  	v4 =	vcvt.f32.s32 v4;
	[tilespmem:s31+$0x20] =	vst v21;
	v10 =	vmin.f32 v22, $1.023000000e+03;
	v15 =	vadd.f32 $5.124990230e+02, v6  }
0xb8: {  	v27 =	vld.idx.msk [tilespmem:v3+s5+$0x0], $0xffff;
	[tilespmem:v16+s14+$0x0] =	vst.idx.msk $0xffff, v1;
	v22 =	vtrunc.f32 v10;
	v6 =	vmul.f32 $1.278750000e+02, v26  }
0xb9: {  	v16 =	vmul.f32 $1.278750000e+02, v8;
	v12 =	vmax.f32 v15, $0.0e+00;
	v15 =	vmul.f32 $1.278750000e+02, v24;
	[tilespmem:s31+$0x10] =	vst v17;
	v17 =	vld [tilespmem:s30+$0x10]  }
0xba: {  	[tilespmem:s31+$0x30] =	vst v19;
	v19 =	vmul.f32 $1.278750000e+02, v14;
	v26 =	vmul.f32 $1.278750000e+02, v18;
	v14 =	vld.idx.msk [tilespmem:v5+s5+$0x0], $0xffff;
	v12 =	vmin.f32 v12, $1.023000000e+03  }
0xbb: {  	v23 =	vadd.f32 $5.124990230e+02, v23;
	v18 =	vmul.f32 $1.278750000e+02, v25;
	[tilespmem:v20+s14+$0x0] =	vst.idx.msk $0xffff, v1;
	v20 =	vld.idx.msk [tilespmem:v11+s5+$0x0], $0xffff;
	v12 =	vtrunc.f32 v12  }
0xbc: {  	v10 =	vld.idx.msk [tilespmem:v2+s5+$0x0], $0xffff;
	v21 =	vadd.f32 $5.124990230e+02, v15;
	v25 =	vadd.f32 $5.124990230e+02, v19;
	v8 =	vcvt.f32.s32 v12  }
0xbd: {  	v24 =	vmax.f32 v23, $0.0e+00;
	v23 =	vadd.f32 $5.124990230e+02, v16;
	v19 =	vld.idx.msk [tilespmem:v9+s5+$0x0], $0xffff;
	v28 =	vadd.f32 $5.124990230e+02, v18  }
0xbe: {  	s22 =	sadd.s32 $0x1, s22;
	s28 =	simm.s32 $0x49C0;
	[tilespmem:v13+s14+$0x0] =	vst.idx.msk $0xffff, v1;
	v16 =	vcvt.f32.s32 v22;
	v15 =	vld [tilespmem:s30+$0x30];
	v18 =	vmax.f32 v21, $0.0e+00;
	v21 =	vmax.f32 v25, $0.0e+00  }
0xbf: {  	s24 =	simm.s32 $0xC8C0;
	s25 =	simm.s32 $0xC8C0;
	s26 =	simm.s32 $0x100;
	[tilespmem:s31+$0xFFFFFFC0] =	vst v27;
	v12 =	vld.idx.msk [tilespmem:v4+s5+$0x0], $0xffff;
	v25 =	vmax.f32 v28, $0.0e+00;
	v22 =	vmin.f32 v21, $1.023000000e+03;
	v21 =	vadd.f32 $5.124990230e+02, v26  }
.LBB2_7:
0xc0: {  	v13 =	vld [tilespmem:s28+$0x0];
	s26 =	sadd.s32 $0x80, s26;
	v23 =	vmax.f32 v23, $0.0e+00;
	v25 =	vmin.f32 v25, $1.023000000e+03;
	v24 =	vmin.f32 v24, $1.023000000e+03;
	s24 =	sadd.s32 $0x80, s24;
	[tilespmem:v7+s14+$0x0] =	vst.idx.msk $0xffff, v1  }
0xc1: {  	v26 =	vld [tilespmem:s28+$0xFFFFFFE0];
	p0 =	slt.u32 s26, $0x3F80;
	v7 =	vmin.f32 v23, $1.023000000e+03;
	v23 =	vtrunc.f32 v25;
	v24 =	vtrunc.f32 v24;
	[tilespmem:v3+s14+$0x0] =	vst.idx.msk $0xffff, v1;
	v3 =	vmovc v16  }
0xc2: {  	v21 =	vmax.f32 v21, $0.0e+00;
	v16 =	vtrunc.f32 v7;
	[tilespmem:s25+$0xFFFFFFF0] =	vst v19;
	v7 =	vcvt.f32.s32 v24;
	v19 =	vld.idx.msk [tilespmem:v8+s5+$0x0], $0xffff  }
0xc3: {  	v15 =	vmul.f32 $1.278750000e+02, v15;
	v24 =	vld [tilespmem:s28+$0xFFFFFFC0];
	v27 =	vcvt.f32.s32 v16;
	v16 =	vmin.f32 v21, $1.023000000e+03;
	[tilespmem:v9+s14+$0x0] =	vst.idx.msk $0xffff, v1  }
0xc4: {  	v18 =	vmin.f32 v18, $1.023000000e+03;
	v23 =	vcvt.f32.s32 v23;
	v9 =	vtrunc.f32 v22;
	v21 =	vld [tilespmem:s28+$0xFFFFFFF0];
	[tilespmem:s25+$0x0] =	vst v20  }
0xc5: {  	v6 =	vadd.f32 $5.124990230e+02, v6;
	v9 =	vcvt.f32.s32 v9;
	v16 =	vtrunc.f32 v16;
	v20 =	vld [tilespmem:s28+$0x20];
	[tilespmem:v11+s14+$0x0] =	vst.idx.msk $0xffff, v1  }
0xc6: {  	v15 =	vadd.f32 $5.124990230e+02, v15;
	v11 =	vtrunc.f32 v18;
	v16 =	vcvt.f32.s32 v16;
	v22 =	vld [tilespmem:s28+$0xFFFFFFD0];
	[tilespmem:s25+$0xFFFFFFE0] =	vst v14  }
0xc7: {  	v17 =	vmul.f32 $1.278750000e+02, v17;
	v14 =	vmax.f32 v6, $0.0e+00;
	v11 =	vcvt.f32.s32 v11;
	v25 =	vld.idx.msk [tilespmem:v3+s5+$0x0], $0xffff;
	[tilespmem:v5+s14+$0x0] =	vst.idx.msk $0xffff, v1;
	v5 =	vmovc v23  }
0xc8: {  	v15 =	vmax.f32 v15, $0.0e+00;
	v14 =	vmin.f32 v14, $1.023000000e+03;
	v6 =	vmul.f32 $1.278750000e+02, v24;
	[tilespmem:s25+$0xFFFFFFD0] =	vst v10;
	v28 =	vld.idx.msk [tilespmem:v7+s5+$0x0], $0xffff  }
0xc9: {  	v13 =	vmul.f32 $1.278750000e+02, v13;
	v17 =	vadd.f32 $5.124990230e+02, v17;
	v29 =	vtrunc.f32 v14;
	v10 =	vld.idx.msk [tilespmem:v27+s5+$0x0], $0xffff;
	[tilespmem:s25+$0x30] =	vst v19  }
0xca: {  	v18 =	vmul.f32 $1.278750000e+02, v21;
	v19 =	vmin.f32 v15, $1.023000000e+03;
	v21 =	vmul.f32 $1.278750000e+02, v20;
	v14 =	vld.idx.msk [tilespmem:v23+s5+$0x0], $0xffff;
	[tilespmem:s25+$0x20] =	vst v12  }
.Ltmp2:
0xcb: {  	v13 =	vadd.f32 $5.124990230e+02, v13;
	v12 =	vmul.f32 $1.278750000e+02, v26;
	v20 =	vtrunc.f32 v19;
	v15 =	vld [tilespmem:s28+$0x30];
	[tilespmem:v4+s14+$0x0] =	vst.idx.msk $0xffff, v1;
	v4 =	vmovc v16;
	(pc) =	sbr.rel @p0 .LBB2_7-.Ltmp2, $4  }
0xcc: {  	v22 =	vmul.f32 $1.278750000e+02, v22;
	v26 =	vadd.f32 $5.124990230e+02, v18;
	v19 =	vld.idx.msk [tilespmem:v9+s5+$0x0], $0xffff;
	[tilespmem:v8+s14+$0x0] =	vst.idx.msk $0xffff, v1;
	v8 =	vcvt.f32.s32 v20  }
0xcd: {  	v24 =	vmax.f32 v17, $0.0e+00;
	v18 =	vmax.f32 v13, $0.0e+00;
	v30 =	vadd.f32 $5.124990230e+02, v12;
	v12 =	vld.idx.msk [tilespmem:v16+s5+$0x0], $0xffff;
	[tilespmem:s25+$0xFFFFFFC0] =	vst v25  }
0xce: {  	v23 =	vadd.f32 $5.124990230e+02, v22;
	v13 =	vmax.f32 v26, $0.0e+00;
	v16 =	vcvt.f32.s32 v29;
	v20 =	vld.idx.msk [tilespmem:v11+s5+$0x0], $0xffff;
	[tilespmem:s25+$0x10] =	vst v28;
	s25 =	smov.u32 s24  }
0xcf: {  	v21 =	vadd.f32 $5.124990230e+02, v21;
	v25 =	vmax.f32 v30, $0.0e+00;
	v22 =	vmin.f32 v13, $1.023000000e+03;
	v17 =	vld [tilespmem:s28+$0x10];
	s28 =	sadd.s32 $0x80, s28;
	[tilespmem:v2+s14+$0x0] =	vst.idx.msk $0xffff, v1;
	v2 =	vmovc v27  }
0xd0: {  	_ =	sdelay $0x3  }
0xd1: {  	[tilespmem:v7+s14+$0x0] =	vst.idx.msk $0xffff, v1  }
0xd2: {  	[tilespmem:v3+s14+$0x0] =	vst.idx.msk $0xffff, v1  }
0xd3: {  	[tilespmem:s25+$0xFFFFFFE0] =	vst v14  }
0xd4: {  	v43 =	vmin.f32 v24, $1.023000000e+03;
	[tilespmem:s25+$0xFFFFFFD0] =	vst v10  }
0xd5: {  	v45 =	vtrunc.f32 v22;
	v3 =	vtrunc.f32 v43;
	[tilespmem:s25+$0xFFFFFFF0] =	vst v19  }
0xd6: {  	v46 =	vmul.f32 $1.278750000e+02, v15;
	v13 =	vmin.f32 v18, $1.023000000e+03;
	[tilespmem:v5+s14+$0x0] =	vst.idx.msk $0xffff, v1;
	v3 =	vcvt.f32.s32 v3  }
0xd7: {  	v13 =	vtrunc.f32 v13;
	[tilespmem:v9+s14+$0x0] =	vst.idx.msk $0xffff, v1;
	v9 =	vcvt.f32.s32 v45  }
0xd8: {  	v44 =	vld.idx.msk [tilespmem:v8+s5+$0x0], $0xffff;
	[tilespmem:v2+s14+$0x0] =	vst.idx.msk $0xffff, v1;
	v51 =	vcvt.f32.s32 v13  }
0xd9: {  	v47 =	vmax.f32 v23, $0.0e+00;
	v50 =	vadd.f32 $5.124990230e+02, v46;
	[tilespmem:s25+$0x20] =	vst v12  }
0xda: {  	v49 =	vld.idx.msk [tilespmem:v16+s5+$0x0], $0xffff;
	v5 =	vmin.f32 v47, $1.023000000e+03;
	[tilespmem:s25+$0x0] =	vst v20  }
0xdb: {  	v5 =	vtrunc.f32 v5;
	[tilespmem:v4+s14+$0x0] =	vst.idx.msk $0xffff, v1;
	v10 =	vmax.f32 v50, $0.0e+00  }
0xdc: {  	v54 =	vmax.f32 v21, $0.0e+00;
	v55 =	vcvt.f32.s32 v5;
	[tilespmem:v11+s14+$0x0] =	vst.idx.msk $0xffff, v1;
	v10 =	vmin.f32 v10, $1.023000000e+03;
	v52 =	vld.idx.msk [tilespmem:v3+s5+$0x0], $0xffff  }
0xdd: {  	v57 =	vmin.f32 v54, $1.023000000e+03;
	v56 =	vmul.f32 $1.278750000e+02, v17;
	[tilespmem:s25+$0x30] =	vst v44;
	v10 =	vtrunc.f32 v10;
	v58 =	vld.idx.msk [tilespmem:v9+s5+$0x0], $0xffff  }
0xde: {  	v48 =	vmin.f32 v25, $1.023000000e+03;
	[tilespmem:v8+s14+$0x0] =	vst.idx.msk $0xffff, v1;
	v8 =	vtrunc.f32 v57;
	v10 =	vcvt.f32.s32 v10;
	v59 =	vld.idx.msk [tilespmem:v51+s5+$0x0], $0xffff  }
0xdf: {  	v53 =	vtrunc.f32 v48;
	[tilespmem:s25+$0xFFFFFFC0] =	vst v49;
	v5 =	vadd.f32 $5.124990230e+02, v56;
	v8 =	vcvt.f32.s32 v8  }
0xe0: {  	v7 =	vcvt.f32.s32 v53;
	[tilespmem:v16+s14+$0x0] =	vst.idx.msk $0xffff, v1  }
0xe1: {  	v6 =	vadd.f32 $5.124990230e+02, v6;
	s24 =	sadd.s32 $0x80, s24;
	v5 =	vmax.f32 v5, $0.0e+00;
	[tilespmem:s25+$0x10] =	vst v52  }
0xe2: {  	v5 =	vmin.f32 v5, $1.023000000e+03;
	v60 =	vld.idx.msk [tilespmem:v55+s5+$0x0], $0xffff;
	[tilespmem:s24+$0xFFFFFFF0] =	vst v58  }
0xe3: {  	v6 =	vmax.f32 v6, $0.0e+00;
	v5 =	vtrunc.f32 v5;
	[tilespmem:s24+$0x0] =	vst v59  }
0xe4: {  	v2 =	vmin.f32 v6, $1.023000000e+03;
	v5 =	vcvt.f32.s32 v5;
	v61 =	vld.idx.msk [tilespmem:v10+s5+$0x0], $0xffff;
	[tilespmem:v3+s14+$0x0] =	vst.idx.msk $0xffff, v1  }
0xe5: {  	v2 =	vtrunc.f32 v2;
	v62 =	vld.idx.msk [tilespmem:v8+s5+$0x0], $0xffff;
	[tilespmem:v9+s14+$0x0] =	vst.idx.msk $0xffff, v1  }
0xe6: {  	v2 =	vcvt.f32.s32 v2;
	v3 =	vld.idx.msk [tilespmem:v7+s5+$0x0], $0xffff;
	[tilespmem:v51+s14+$0x0] =	vst.idx.msk $0xffff, v1  }
0xe7: {  	[tilespmem:s24+$0xFFFFFFD0] =	vst v60  }
0xe8: {  	[tilespmem:v55+s14+$0x0] =	vst.idx.msk $0xffff, v1  }
0xe9: {  	[tilespmem:s24+$0x30] =	vst v61  }
0xea: {  	v63 =	vld.idx.msk [tilespmem:v5+s5+$0x0], $0xffff;
	[tilespmem:s24+$0x20] =	vst v62  }
0xeb: {  	[tilespmem:s24+$0xFFFFFFE0] =	vst v3  }
0xec: {  	v3 =	vld.idx.msk [tilespmem:v2+s5+$0x0], $0xffff;
	[tilespmem:v8+s14+$0x0] =	vst.idx.msk $0xffff, v1  }
0xed: {  	[tilespmem:v10+s14+$0x0] =	vst.idx.msk $0xffff, v1  }
0xee: {  	p0 =	sne.s32 s22, $0x10;
	[tilespmem:v7+s14+$0x0] =	vst.idx.msk $0xffff, v1  }
.Ltmp3:
0xef: {  	[tilespmem:s24+$0x10] =	vst v63;
	(pc) =	sbr.rel @p0 .LBB2_4-.Ltmp3, $4  }
0xf0: {  	[tilespmem:v5+s14+$0x0] =	vst.idx.msk $0xffff, v1  }
0xf1: {  	[tilespmem:s24+$0xFFFFFFC0] =	vst v3  }
0xf2: {  	s23 =	sadd.s32 s3, s23;
	[tilespmem:v2+s14+$0x0] =	vst.idx.msk $0xffff, v1  }
0xf3: {  	[hbm4b:s23+s5] =	stream.linear.scatter [tilespmem:s17], [sflag:$0x4], $0x4000, $0x38;
	[tilespmem:$0x10800] =	vst v63  }
0xf4: {  	_ =	swait.ge [sflag:s18], $0x4000  }
0xf5: {  	[sflag:s18] =	ssyncset.done $0x0  }
0xf6: {  	[sflag:s18] =	ssyncadd.s32 $0xFFFFC000  }
0xf7: {  	s21 =	sadd.s32 $0x1, s21;
	_ =	swait.ge [sflag:s19], $0x4000  }
0xf8: {  	p0 =	sne.s32 s21, s9;
	[sflag:s19] =	ssyncset.done $0x0  }
.Ltmp4:
0xf9: {  	[sflag:s19] =	ssyncadd.s32 $0xFFFFC000;
	(pc) =	sbr.rel @p0 .LBB2_1-.Ltmp4, $4  }
0xfa: {  	[hbm4b:s8+s20] =	stream.strided.scatter [tilespmem:s14], [sflag:$0x5], $0x400, s14, s20, $0x38;
	[tilespmem:$0x10800] =	vst v63  }
0xfb: {  	_ =	swait.ge [sflag:s10], $0x400  }
0xfc: {  	[sflag:s10] =	ssyncset.done $0x0  }
0xfd: {  	[sflag:s10] =	ssyncadd.s32 $0xFFFFFC00  }
0xfe: {  	_ =	sfence.sel $0x180000  }
0xff: {  	[bflag:$0x0] =	sbarrier.arrive $0xFFFF  }
0x100: {  	p0 =	sne.s32 s4, $0x0;
	_ =	strace $0x90000047  }
0x101: {  	s0 =	sadd.s32 @!p0 $0x100000, s0;
	[bflag:$0x2] =	sbarrier.arrive $0xFFFF  }
0x102: {  	[sflag:s0] =	ssyncadd.tile.s32 @!p0 $0x1;
	_ =	shalt  }
.Lfunc_end2:
_tile_overlayer_lowered:
.L_overlay_start_2:
0x103: {  	(tag) =	ssettag $0x2  }
0x104: {  	s0 =	rddreg [dreg:$0x0];
	s2 =	stileid.u32  }
0x105: {  	s1 =	rddreg [dreg:$0x1];
	p0 =	sne.s32 s2, $0x0  }
0x106: {  	s3 =	rddreg [dreg:$0x2];
	[bflag:$0x3] =	sbarrier.arrive $0xFFFF;
	s2 =	simm.s32 @!p0 $0x1C05  }
0x107: {  	[timem:s3], [sflag:s2] =	dma.local @!p0 [hbm:s0], s1  }
0x108: {  	s0 =	simm.s32 @!p0 $0x5  }
0x109: {  	_ =	swait.ge @!p0 [sflag:s0], s1  }
0x10a: {  	s1 =	ssub.s32 @!p0 $0x0, s1;
	[sflag:s0] =	ssyncset.done @!p0 $0x0  }
0x10b: {  	[sflag:s0] =	ssyncadd.s32 @!p0 s1  }
0x10c: {  	[bflag:$0x3] =	sbarrier.arrive $0xFFFF  }
0x10d: {  	_ =	shalt  }

</sc_bundles>
